<compile_context>
chip_gen: v7x
topology: tpu7x:2x2x1
jax: 0.10.2.dev20260603
libtpu: 0.0.44.dev20260713+nightly
codegen_flags: <defaults>
</compile_context>

<pallas_src>
import functools

import jax
import jax.numpy as jnp
from jax import lax
from jax.experimental import pallas as pl
from jax.experimental.pallas import tpu as pltpu
from jax.experimental.pallas import tpu_sc as plsc

_N = 10000
_E = 320000
_F = 128
_IN = 512
_ND = 2000
_NT = 8000

_NC = 2
_NS = 16
_NW = _NC * _NS
_FPT = _F // _NW
_WORDS = _FPT * _N

_CHUNK = 8000
_NCHUNK = _E // _CHUNK
_GROUPS = _CHUNK // 16

_HIGH = jax.lax.Precision.DEFAULT
_EXACT = jax.lax.Precision.HIGHEST


def _eye128(dtype=jnp.float32):
    a = lax.broadcasted_iota(jnp.int32, (_F, _F), 0)
    b = lax.broadcasted_iota(jnp.int32, (_F, _F), 1)
    return (a == b).astype(dtype)


def _dense_in_body(x_ref, w_ref, w1_ref, out_ref):
    x = x_ref[...]
    nrm = jnp.sqrt(jnp.sum(x * x, axis=1, keepdims=True))
    xn = x / jnp.maximum(nrm, 1e-12)
    y = jnp.dot(xn, w_ref[...], preferred_element_type=jnp.float32,
                precision=_HIGH)
    s = jnp.dot(y, w1_ref[...], preferred_element_type=jnp.float32,
                precision=_HIGH)
    out_ref[...] = lax.dot_general(_eye128(), s, (((1,), (1,)), ((), ())),
                                   preferred_element_type=jnp.float32,
                                   precision=_EXACT)


def _dense_in(x, w, w1, rows):
    return pl.pallas_call(
        _dense_in_body,
        out_shape=jax.ShapeDtypeStruct((_F, rows), jnp.float32),
    )(x, w, w1)


def _pack_body(row_ref, col_ref, out_ref):
    out_ref[...] = jnp.bitwise_or(
        jnp.left_shift(row_ref[...], 16), col_ref[...])


def _pack_edges(row, col):
    r2 = row.reshape(_E // 128, 128)
    c2 = col.reshape(_E // 128, 128)
    packed = pl.pallas_call(
        _pack_body,
        out_shape=jax.ShapeDtypeStruct((_E // 128, 128), jnp.int32),
    )(r2, c2)
    return packed.reshape(-1)


def _edge_body(supp_hbm, rc_hbm, ew_hbm, out_hbm,
               supp_v, acc_v,
               rc0_v, ew0_v, rc1_v, ew1_v,
               supp_sem, sr0, sw0, sr1, sw1):
    wid = lax.axis_index("s") * _NC + lax.axis_index("c")
    base = wid * _WORDS
    bufs = ((rc0_v, ew0_v), (rc1_v, ew1_v))
    sems = ((sr0, sw0), (sr1, sw1))

    def _edges(ci):
        return (rc_hbm.at[pl.ds(ci * _CHUNK, _CHUNK)],
                ew_hbm.at[pl.ds(ci * _CHUNK, _CHUNK)])

    def _start(ci, b):
        for src, dst, sem in zip(_edges(ci), bufs[b], sems[b]):
            pltpu.async_copy(src, dst, sem)

    def _wait(ci, b):
        for src, dst, sem in zip(_edges(ci), bufs[b], sems[b]):
            pltpu.make_async_copy(src, dst, sem).wait()

    supp_cp = pltpu.async_copy(supp_hbm.at[pl.ds(base, _WORDS)], supp_v,
                               supp_sem)
    _start(0, 0)

    zero = jnp.zeros((16,), jnp.float32)

    @plsc.parallel_loop(0, _WORDS // 16, 1, unroll=10)
    def _z(i):
        acc_v[pl.ds(i * 16, 16)] = zero

    supp_cp.wait()

    def _compute(b):
        rcv, wv = bufs[b]

        @plsc.parallel_loop(0, _GROUPS, 1, unroll=4)
        def _group(g):
            gb = g * 16
            rc = rcv[pl.ds(gb, 16)]
            w = wv[pl.ds(gb, 16)]
            r = lax.shift_right_logical(rc, 16)
            c = jnp.bitwise_and(rc, 0xFFFF)
            for j in range(_FPT):
                v = plsc.load_gather(supp_v, [c + (j * _N)])
                plsc.addupdate_scatter(acc_v, [r + (j * _N)], v * w)

    def _outer(k, carry):
        for b in range(2):
            ci = k * 2 + b
            nxt = ci + 1

            @pl.when(nxt < _NCHUNK)
            def _():
                _start(nxt, 1 - b)

            _wait(ci, b)
            _compute(b)
        return carry

    lax.fori_loop(0, _NCHUNK // 2, _outer, 0)
    pltpu.sync_copy(acc_v, out_hbm.at[pl.ds(base, _WORDS)])


_edge_kernel = functools.partial(
    pl.kernel,
    out_type=jax.ShapeDtypeStruct((_F * _N,), jnp.float32),
    mesh=plsc.VectorSubcoreMesh(core_axis_name="c", subcore_axis_name="s"),
    compiler_params=pltpu.CompilerParams(needs_layout_passes=False),
    scratch_types=[
        pltpu.VMEM((_WORDS,), jnp.float32),
        pltpu.VMEM((_WORDS,), jnp.float32),
        pltpu.VMEM((_CHUNK,), jnp.int32),
        pltpu.VMEM((_CHUNK,), jnp.float32),
        pltpu.VMEM((_CHUNK,), jnp.int32),
        pltpu.VMEM((_CHUNK,), jnp.float32),
        pltpu.SemaphoreType.DMA,
        pltpu.SemaphoreType.DMA,
        pltpu.SemaphoreType.DMA,
        pltpu.SemaphoreType.DMA,
        pltpu.SemaphoreType.DMA,
    ],
)(_edge_body)


def _edge_layer(supp_t_flat, rc, ew):
    return _edge_kernel(supp_t_flat, rc, ew)


def _mid_body(acc_ref, b_ref, w2_ref, out_ref):
    h = jnp.maximum(acc_ref[...] + b_ref[...], 0.0)
    out_ref[...] = lax.dot_general(w2_ref[...], h, (((0,), (0,)), ((), ())),
                                   preferred_element_type=jnp.float32,
                                   precision=_HIGH)


def _mid_layer(acc_t, b, w2):
    return pl.pallas_call(
        _mid_body,
        out_shape=jax.ShapeDtypeStruct((_F, _N), jnp.float32),
    )(acc_t, b, w2)


def _h_body(acc_ref, b_ref, out_ref):
    h = jnp.maximum(acc_ref[...] + b_ref[...], 0.0)
    out_ref[...] = lax.dot_general(h, _eye128(), (((0,), (0,)), ((), ())),
                                   preferred_element_type=jnp.float32,
                                   precision=_EXACT)


def _h_layer(acc_t, b):
    return pl.pallas_call(
        _h_body,
        out_shape=jax.ShapeDtypeStruct((_N, _F), jnp.float32),
    )(acc_t, b)


def _dec_body(hr_ref, accd_ref, b_ref, tw_ref, out_ref):
    s1 = jnp.dot(hr_ref[...], tw_ref[...],
                 preferred_element_type=jnp.float32,
                 precision=_HIGH)
    hd2_t = jnp.maximum(accd_ref[...] + b_ref[...], 0.0)
    out_ref[...] = jnp.dot(s1, hd2_t,
                           preferred_element_type=jnp.float32,
                           precision=_HIGH)


def _decoder(h, acc2d, b, tw, bi=400):
    return pl.pallas_call(
        _dec_body,
        grid=(_ND // bi,),
        in_specs=[
            pl.BlockSpec((bi, _F), lambda i: (i, 0)),
            pl.BlockSpec((_F, _NT), lambda i: (0, 0)),
            pl.BlockSpec((_F, 1), lambda i: (0, 0)),
            pl.BlockSpec((_F, _F), lambda i: (0, 0)),
        ],
        out_specs=pl.BlockSpec((bi, _NT), lambda i: (i, 0)),
        out_shape=jax.ShapeDtypeStruct((_ND, _NT), jnp.float32),
    )(h, acc2d, b, tw)


def kernel(drug_F, target_F, edge_index, edge_weight, fc1_W, fc2_W,
           W1, b1, W2, b2, train_W, drug_num, target_num):
    row = edge_index[0].astype(jnp.int32)
    col = edge_index[1].astype(jnp.int32)
    ew = edge_weight.astype(jnp.float32)
    b1c = b1.reshape(_F, 1)
    b2c = b2.reshape(_F, 1)

    rc = _pack_edges(row, col)
    supp1_d = _dense_in(drug_F, fc1_W, W1, _ND)
    supp1_t = _dense_in(target_F, fc2_W, W1, _NT)
    supp1 = jnp.concatenate([supp1_d, supp1_t], axis=1)

    acc1 = _edge_layer(supp1.reshape(-1), rc, ew).reshape(_F, _N)
    supp2 = _mid_layer(acc1, b1c, W2)
    acc2 = _edge_layer(supp2.reshape(-1), rc, ew).reshape(_F, _N)

    H = _h_layer(acc2, b2c)
    decoder = _decoder(H, acc2[:, _ND:], b2c, train_W)
    return (decoder, H)

# --- scband reference (transcript-rebuilt; emitter-appended) ---
"""Pipeline reference for scband-gcn-decoder-4801773437397 (READ-ONLY COPY).

The authoritative reference and input builder live on the scoring server;
editing this copy changes nothing except your own understanding.
"""

import jax, jax.numpy as jnp
import numpy as np

N_DRUG = 2000
N_TARGET = 8000
N = N_DRUG + N_TARGET
E = 320000
D_DIM = 512
T_DIM = 512
IN_DIM = 128
HGCN = 128
DROPOUT = 0.0


def setup_inputs(seed: int = 0) -> dict:
    key = jax.random.key(seed)
    ks = jax.random.split(key, 12)
    drug_F = jax.random.normal(ks[0], (N_DRUG, D_DIM), dtype=jnp.float32)
    target_F = jax.random.normal(ks[1], (N_TARGET, T_DIM), dtype=jnp.float32)
    edge_index = jax.random.randint(ks[2], (2, E), 0, N)
    edge_weight = jax.random.uniform(ks[3], (E,), dtype=jnp.float32)
    # learned parameters
    fc1_W = jax.random.normal(ks[4], (D_DIM, IN_DIM), dtype=jnp.float32) * (1.0 / np.sqrt(D_DIM))
    fc2_W = jax.random.normal(ks[5], (T_DIM, IN_DIM), dtype=jnp.float32) * (1.0 / np.sqrt(T_DIM))
    W1 = jax.random.normal(ks[6], (IN_DIM, HGCN), dtype=jnp.float32) * (1.0 / np.sqrt(IN_DIM))
    b1 = jnp.zeros((HGCN,), dtype=jnp.float32)
    W2 = jax.random.normal(ks[7], (HGCN, HGCN), dtype=jnp.float32) * (1.0 / np.sqrt(HGCN))
    b2 = jnp.zeros((HGCN,), dtype=jnp.float32)
    train_W = jax.random.normal(ks[8], (HGCN, HGCN), dtype=jnp.float32) * 0.05
    return {
        'drug_F': drug_F,
        'target_F': target_F,
        'edge_index': edge_index,
        'edge_weight': edge_weight,
        'fc1_W': fc1_W,
        'fc2_W': fc2_W,
        'W1': W1,
        'b1': b1,
        'W2': W2,
        'b2': b2,
        'train_W': train_W,
        'drug_num': N_DRUG,
        'target_num': N_TARGET,
    }


def _l2_normalize(x):
    # F.normalize(x, dim=1) with eps=1e-12
    n = jnp.linalg.norm(x, axis=1, keepdims=True)
    return x / jnp.clip(n, 1e-12)


def reference(drug_F, target_F, edge_index, edge_weight, fc1_W, fc2_W, W1, b1, W2, b2, train_W, drug_num, target_num):
    # initial_H
    HD = _l2_normalize(drug_F)
    HT = _l2_normalize(target_F)
    new_HD = HD @ fc1_W
    new_HT = HT @ fc2_W
    H = jnp.concatenate([new_HD, new_HT], axis=0)  # [N, IN_DIM]

    row = edge_index[0]
    col = edge_index[1]
    n_nodes = H.shape[0]

    # gc1: sparse adj mm -> gather + scatter-add
    support = H @ W1
    msg = edge_weight[:, None] * jnp.take(support, col, axis=0)
    out = jnp.zeros((n_nodes, support.shape[1]), dtype=support.dtype).at[row].add(msg)
    H = jax.nn.relu(out + b1)
    # dropout with p=0.0, training=True -> identity

    # gc3
    support2 = H @ W2
    msg2 = edge_weight[:, None] * jnp.take(support2, col, axis=0)
    out2 = jnp.zeros((n_nodes, support2.shape[1]), dtype=support2.dtype).at[row].add(msg2)
    H = jax.nn.relu(out2 + b2)

    # decoder
    dn = drug_F.shape[0]
    tn = target_F.shape[0]
    start0 = (drug_num - dn) + (target_num - tn)
    HR = jax.lax.dynamic_slice_in_dim(H, start0, dn, axis=0)
    HD2 = jax.lax.dynamic_slice_in_dim(H, start0 + dn, tn, axis=0)
    supp1 = HR @ train_W
    decoder = supp1 @ HD2.T
    return (decoder, H)

if __name__ == "__main__":
    import jax
    _d = setup_inputs()
    print(jax.jit(kernel)(*tuple(_d.values())))

</pallas_src>

<mosaic_0001>
#map = affine_map<(d0, d1) -> (0)>
module attributes {stable_mosaic.version = 14 : i64} {
  func.func @_edge_body(%arg0: i32, %arg1: i32, %arg2: memref<1280000xf32, #tpu.memory_space<hbm>>, %arg3: memref<320000xi32, #tpu.memory_space<hbm>>, %arg4: memref<320000xf32, #tpu.memory_space<hbm>>, %arg5: memref<1280000xf32, #tpu.memory_space<hbm>>, %arg6: memref<40000xf32, #tpu.memory_space<vmem>>, %arg7: memref<40000xf32, #tpu.memory_space<vmem>>, %arg8: memref<8000xi32, #tpu.memory_space<vmem>>, %arg9: memref<8000xf32, #tpu.memory_space<vmem>>, %arg10: memref<8000xi32, #tpu.memory_space<vmem>>, %arg11: memref<8000xf32, #tpu.memory_space<vmem>>, %arg12: memref<!tpu.dma_semaphore, #tpu.memory_space<semaphore_mem>>, %arg13: memref<!tpu.dma_semaphore, #tpu.memory_space<semaphore_mem>>, %arg14: memref<!tpu.dma_semaphore, #tpu.memory_space<semaphore_mem>>, %arg15: memref<!tpu.dma_semaphore, #tpu.memory_space<semaphore_mem>>, %arg16: memref<!tpu.dma_semaphore, #tpu.memory_space<semaphore_mem>>) attributes {dimension_semantics = [#tpu.dimension_semantics<core_parallel>, #tpu.dimension_semantics<subcore_parallel>], iteration_bounds = array<i64: 2, 16>, scalar_prefetch = 0 : i64, scratch_operands = 11 : i64, tpu.core_type = #tpu.core_type<sc_vector_subcore>, window_params = [{transform_indices = #map}, {transform_indices = #map}, {transform_indices = #map}, {transform_indices = #map}]} {
    %mul3A = arith.constant 2 : i32
    %mul3A_0 = arith.muli %arg1, %mul3A : i32
    %add3A = arith.addi %mul3A_0, %arg0 : i32
    %mul3A_1 = arith.constant 40000 : i32
    %mul3A_2 = arith.muli %add3A, %mul3A_1 : i32
    %dma_start3A = tpu.memref_slice %arg2[%mul3A_2] : memref<1280000xf32, #tpu.memory_space<hbm>> -> memref<40000xf32, #tpu.memory_space<hbm>>
    %dma_start3A_3 = tpu.memref_slice %arg2[%mul3A_2] : memref<1280000xf32, #tpu.memory_space<hbm>> -> memref<40000xf32, #tpu.memory_space<hbm>>
    tpu.enqueue_dma source(%dma_start3A_3 : memref<40000xf32, #tpu.memory_space<hbm>>) target(%arg6 : memref<40000xf32, #tpu.memory_space<vmem>>) target_semaphore(%arg12 : memref<!tpu.dma_semaphore, #tpu.memory_space<semaphore_mem>>)
    %dma_start3A_4 = arith.constant 0 : i32
    %dma_start3A_5 = tpu.memref_slice %arg3[%dma_start3A_4] : memref<320000xi32, #tpu.memory_space<hbm>> -> memref<8000xi32, #tpu.memory_space<hbm>>
    %dma_start3A_6 = arith.constant 0 : i32
    %dma_start3A_7 = tpu.memref_slice %arg3[%dma_start3A_6] : memref<320000xi32, #tpu.memory_space<hbm>> -> memref<8000xi32, #tpu.memory_space<hbm>>
    tpu.enqueue_dma source(%dma_start3A_7 : memref<8000xi32, #tpu.memory_space<hbm>>) target(%arg8 : memref<8000xi32, #tpu.memory_space<vmem>>) target_semaphore(%arg13 : memref<!tpu.dma_semaphore, #tpu.memory_space<semaphore_mem>>)
    %dma_start3A_8 = arith.constant 0 : i32
    %dma_start3A_9 = tpu.memref_slice %arg4[%dma_start3A_8] : memref<320000xf32, #tpu.memory_space<hbm>> -> memref<8000xf32, #tpu.memory_space<hbm>>
    %dma_start3A_10 = arith.constant 0 : i32
    %dma_start3A_11 = tpu.memref_slice %arg4[%dma_start3A_10] : memref<320000xf32, #tpu.memory_space<hbm>> -> memref<8000xf32, #tpu.memory_space<hbm>>
    tpu.enqueue_dma source(%dma_start3A_11 : memref<8000xf32, #tpu.memory_space<hbm>>) target(%arg9 : memref<8000xf32, #tpu.memory_space<vmem>>) target_semaphore(%arg14 : memref<!tpu.dma_semaphore, #tpu.memory_space<semaphore_mem>>)
    %broadcast_in_dim3A = arith.constant 0.000000e+00 : f32
    %broadcast_in_dim3A_12 = vector.broadcast %broadcast_in_dim3A : f32 to vector<16xf32>
    %parallel_loop3A = arith.constant 0 : i32
    %parallel_loop3A_13 = arith.constant 2500 : i32
    %parallel_loop3A_14 = arith.constant 1 : i32
    scf.for %parallel_loop3A_21 = %parallel_loop3A to %parallel_loop3A_13 step %parallel_loop3A_14  : i32 {
      %parallel_loop3A_22 = arith.constant 16 : i32
      %parallel_loop3A_23 = arith.muli %parallel_loop3A_21, %parallel_loop3A_22 : i32
      %parallel_loop3A_24 = arith.index_cast %parallel_loop3A_23 : i32 to index
      %parallel_loop3A_25 = tpu.vector_load %arg7[%parallel_loop3A_24] {strides = array<i32>} : memref<40000xf32, #tpu.memory_space<vmem>>, vector<16xf32>,
      tpu.vector_store %arg7[%parallel_loop3A_24], %broadcast_in_dim3A_12 {strides = array<i32>} : memref<40000xf32, #tpu.memory_space<vmem>>, vector<16xf32>,
    } {sc.loop_unroll_factor = 10 : i64, sc.parallel_access}
    %dma_wait3A = tpu.memref_slice %arg2[%mul3A_2] : memref<1280000xf32, #tpu.memory_space<hbm>> -> memref<40000xf32, #tpu.memory_space<hbm>>
    %dma_wait3A_15 = tpu.memref_slice %arg2[%mul3A_2] : memref<1280000xf32, #tpu.memory_space<hbm>> -> memref<40000xf32, #tpu.memory_space<hbm>>
    tpu.wait_dma2 semaphore(%arg12 : memref<!tpu.dma_semaphore, #tpu.memory_space<semaphore_mem>>) src(%dma_wait3A_15 : memref<40000xf32, #tpu.memory_space<hbm>>) dst(%arg6 : memref<40000xf32, #tpu.memory_space<vmem>>)
    %scan3A = arith.constant 0 : i32
    %scan3A_16 = arith.constant 0 : i32
    %scan3A_17 = arith.constant 20 : i32
    %scan3A_18 = arith.addi %scan3A_16, %scan3A_17 : i32
    %scan3A_19 = arith.constant 1 : i32
    scf.for %scan3A_21 = %scan3A_16 to %scan3A_18 step %scan3A_19  : i32 {
      %mul3A_22 = arith.constant 2 : i32
      %mul3A_23 = arith.muli %scan3A_21, %mul3A_22 : i32
      %add3A_24 = arith.constant 0 : i32
      %add3A_25 = arith.addi %mul3A_23, %add3A_24 : i32
      %add3A_26 = arith.constant 1 : i32
      %add3A_27 = arith.addi %add3A_25, %add3A_26 : i32
      %lt3A = arith.constant 40 : i32
      %lt3A_28 = arith.cmpi slt, %add3A_27, %lt3A : i32
      %convert_element_type3A = arith.extui %lt3A_28 : i1 to i32
      %cond3A = arith.constant 0 : i32
      %cond3A_29 = arith.cmpi ne, %convert_element_type3A, %cond3A : i32
      scf.if %cond3A_29 {
        %mul3A_63 = arith.constant 8000 : i32
        %mul3A_64 = arith.muli %add3A_27, %mul3A_63 : i32
        %mul3A_65 = arith.constant 8000 : i32
        %mul3A_66 = arith.muli %add3A_27, %mul3A_65 : i32
        %dma_start3A_67 = tpu.memref_slice %arg3[%mul3A_64] : memref<320000xi32, #tpu.memory_space<hbm>> -> memref<8000xi32, #tpu.memory_space<hbm>>
        %dma_start3A_68 = tpu.memref_slice %arg3[%mul3A_64] : memref<320000xi32, #tpu.memory_space<hbm>> -> memref<8000xi32, #tpu.memory_space<hbm>>
        tpu.enqueue_dma source(%dma_start3A_68 : memref<8000xi32, #tpu.memory_space<hbm>>) target(%arg10 : memref<8000xi32, #tpu.memory_space<vmem>>) target_semaphore(%arg15 : memref<!tpu.dma_semaphore, #tpu.memory_space<semaphore_mem>>)
        %dma_start3A_69 = tpu.memref_slice %arg4[%mul3A_66] : memref<320000xf32, #tpu.memory_space<hbm>> -> memref<8000xf32, #tpu.memory_space<hbm>>
        %dma_start3A_70 = tpu.memref_slice %arg4[%mul3A_66] : memref<320000xf32, #tpu.memory_space<hbm>> -> memref<8000xf32, #tpu.memory_space<hbm>>
        tpu.enqueue_dma source(%dma_start3A_70 : memref<8000xf32, #tpu.memory_space<hbm>>) target(%arg11 : memref<8000xf32, #tpu.memory_space<vmem>>) target_semaphore(%arg16 : memref<!tpu.dma_semaphore, #tpu.memory_space<semaphore_mem>>)
      } else {
      }
      %mul3A_30 = arith.constant 8000 : i32
      %mul3A_31 = arith.muli %add3A_25, %mul3A_30 : i32
      %mul3A_32 = arith.constant 8000 : i32
      %mul3A_33 = arith.muli %add3A_25, %mul3A_32 : i32
      %dma_wait3A_34 = tpu.memref_slice %arg3[%mul3A_31] : memref<320000xi32, #tpu.memory_space<hbm>> -> memref<8000xi32, #tpu.memory_space<hbm>>
      %dma_wait3A_35 = tpu.memref_slice %arg3[%mul3A_31] : memref<320000xi32, #tpu.memory_space<hbm>> -> memref<8000xi32, #tpu.memory_space<hbm>>
      tpu.wait_dma2 semaphore(%arg13 : memref<!tpu.dma_semaphore, #tpu.memory_space<semaphore_mem>>) src(%dma_wait3A_35 : memref<8000xi32, #tpu.memory_space<hbm>>) dst(%arg8 : memref<8000xi32, #tpu.memory_space<vmem>>)
      %dma_wait3A_36 = tpu.memref_slice %arg4[%mul3A_33] : memref<320000xf32, #tpu.memory_space<hbm>> -> memref<8000xf32, #tpu.memory_space<hbm>>
      %dma_wait3A_37 = tpu.memref_slice %arg4[%mul3A_33] : memref<320000xf32, #tpu.memory_space<hbm>> -> memref<8000xf32, #tpu.memory_space<hbm>>
      tpu.wait_dma2 semaphore(%arg14 : memref<!tpu.dma_semaphore, #tpu.memory_space<semaphore_mem>>) src(%dma_wait3A_37 : memref<8000xf32, #tpu.memory_space<hbm>>) dst(%arg9 : memref<8000xf32, #tpu.memory_space<vmem>>)
      %parallel_loop3A_38 = arith.constant 0 : i32
      %parallel_loop3A_39 = arith.constant 500 : i32
      %parallel_loop3A_40 = arith.constant 1 : i32
      scf.for %parallel_loop3A_63 = %parallel_loop3A_38 to %parallel_loop3A_39 step %parallel_loop3A_40  : i32 {
        %parallel_loop3A_64 = arith.constant 16 : i32
        %parallel_loop3A_65 = arith.muli %parallel_loop3A_63, %parallel_loop3A_64 : i32
        %parallel_loop3A_66 = arith.index_cast %parallel_loop3A_65 : i32 to index
        %parallel_loop3A_67 = tpu.vector_load %arg8[%parallel_loop3A_66] {strides = array<i32>} : memref<8000xi32, #tpu.memory_space<vmem>>, vector<16xi32>,
        %parallel_loop3A_68 = arith.index_cast %parallel_loop3A_65 : i32 to index
        %parallel_loop3A_69 = tpu.vector_load %arg9[%parallel_loop3A_68] {strides = array<i32>} : memref<8000xf32, #tpu.memory_space<vmem>>, vector<16xf32>,
        %parallel_loop3A_70 = arith.constant 16 : i32
        %parallel_loop3A_71 = vector.broadcast %parallel_loop3A_70 : i32 to vector<16xi32>
        %parallel_loop3A_72 = arith.shrui %parallel_loop3A_67, %parallel_loop3A_71 : vector<16xi32>
        %parallel_loop3A_73 = arith.constant 65535 : i32
        %parallel_loop3A_74 = vector.broadcast %parallel_loop3A_73 : i32 to vector<16xi32>
        %parallel_loop3A_75 = arith.andi %parallel_loop3A_67, %parallel_loop3A_74 : vector<16xi32>
        %parallel_loop3A_76 = arith.constant 0 : i32
        %parallel_loop3A_77 = vector.broadcast %parallel_loop3A_76 : i32 to vector<16xi32>
        %parallel_loop3A_78 = arith.addi %parallel_loop3A_75, %parallel_loop3A_77 : vector<16xi32>
        %parallel_loop3A_79 = tpu.vector_load_idx %arg6[%parallel_loop3A_78] : memref<40000xf32, #tpu.memory_space<vmem>>[vector<16xi32>], vector<16xf32>,
        %parallel_loop3A_80 = arith.constant 0 : i32
        %parallel_loop3A_81 = vector.broadcast %parallel_loop3A_80 : i32 to vector<16xi32>
        %parallel_loop3A_82 = arith.addi %parallel_loop3A_72, %parallel_loop3A_81 : vector<16xi32>
        %parallel_loop3A_83 = arith.mulf %parallel_loop3A_79, %parallel_loop3A_69 : vector<16xf32>
        tpu.vector_store_idx %arg7[%parallel_loop3A_82], %parallel_loop3A_83 {add = true} : memref<40000xf32, #tpu.memory_space<vmem>>[vector<16xi32>], vector<16xf32>,
        %parallel_loop3A_84 = arith.constant 10000 : i32
        %parallel_loop3A_85 = vector.broadcast %parallel_loop3A_84 : i32 to vector<16xi32>
        %parallel_loop3A_86 = arith.addi %parallel_loop3A_75, %parallel_loop3A_85 : vector<16xi32>
        %parallel_loop3A_87 = tpu.vector_load_idx %arg6[%parallel_loop3A_86] : memref<40000xf32, #tpu.memory_space<vmem>>[vector<16xi32>], vector<16xf32>,
        %parallel_loop3A_88 = arith.constant 10000 : i32
        %parallel_loop3A_89 = vector.broadcast %parallel_loop3A_88 : i32 to vector<16xi32>
        %parallel_loop3A_90 = arith.addi %parallel_loop3A_72, %parallel_loop3A_89 : vector<16xi32>
        %parallel_loop3A_91 = arith.mulf %parallel_loop3A_87, %parallel_loop3A_69 : vector<16xf32>
        tpu.vector_store_idx %arg7[%parallel_loop3A_90], %parallel_loop3A_91 {add = true} : memref<40000xf32, #tpu.memory_space<vmem>>[vector<16xi32>], vector<16xf32>,
        %parallel_loop3A_92 = arith.constant 20000 : i32
        %parallel_loop3A_93 = vector.broadcast %parallel_loop3A_92 : i32 to vector<16xi32>
        %parallel_loop3A_94 = arith.addi %parallel_loop3A_75, %parallel_loop3A_93 : vector<16xi32>
        %parallel_loop3A_95 = tpu.vector_load_idx %arg6[%parallel_loop3A_94] : memref<40000xf32, #tpu.memory_space<vmem>>[vector<16xi32>], vector<16xf32>,
        %parallel_loop3A_96 = arith.constant 20000 : i32
        %parallel_loop3A_97 = vector.broadcast %parallel_loop3A_96 : i32 to vector<16xi32>
        %parallel_loop3A_98 = arith.addi %parallel_loop3A_72, %parallel_loop3A_97 : vector<16xi32>
        %parallel_loop3A_99 = arith.mulf %parallel_loop3A_95, %parallel_loop3A_69 : vector<16xf32>
        tpu.vector_store_idx %arg7[%parallel_loop3A_98], %parallel_loop3A_99 {add = true} : memref<40000xf32, #tpu.memory_space<vmem>>[vector<16xi32>], vector<16xf32>,
        %parallel_loop3A_100 = arith.constant 30000 : i32
        %parallel_loop3A_101 = vector.broadcast %parallel_loop3A_100 : i32 to vector<16xi32>
        %parallel_loop3A_102 = arith.addi %parallel_loop3A_75, %parallel_loop3A_101 : vector<16xi32>
        %parallel_loop3A_103 = tpu.vector_load_idx %arg6[%parallel_loop3A_102] : memref<40000xf32, #tpu.memory_space<vmem>>[vector<16xi32>], vector<16xf32>,
        %parallel_loop3A_104 = arith.constant 30000 : i32
        %parallel_loop3A_105 = vector.broadcast %parallel_loop3A_104 : i32 to vector<16xi32>
        %parallel_loop3A_106 = arith.addi %parallel_loop3A_72, %parallel_loop3A_105 : vector<16xi32>
        %parallel_loop3A_107 = arith.mulf %parallel_loop3A_103, %parallel_loop3A_69 : vector<16xf32>
        tpu.vector_store_idx %arg7[%parallel_loop3A_106], %parallel_loop3A_107 {add = true} : memref<40000xf32, #tpu.memory_space<vmem>>[vector<16xi32>], vector<16xf32>,
      } {sc.loop_unroll_factor = 4 : i64, sc.parallel_access}
      %mul3A_41 = arith.constant 2 : i32
      %mul3A_42 = arith.muli %scan3A_21, %mul3A_41 : i32
      %add3A_43 = arith.constant 1 : i32
      %add3A_44 = arith.addi %mul3A_42, %add3A_43 : i32
      %add3A_45 = arith.constant 1 : i32
      %add3A_46 = arith.addi %add3A_44, %add3A_45 : i32
      %lt3A_47 = arith.constant 40 : i32
      %lt3A_48 = arith.cmpi slt, %add3A_46, %lt3A_47 : i32
      %convert_element_type3A_49 = arith.extui %lt3A_48 : i1 to i32
      %cond3A_50 = arith.constant 0 : i32
      %cond3A_51 = arith.cmpi ne, %convert_element_type3A_49, %cond3A_50 : i32
      scf.if %cond3A_51 {
        %mul3A_63 = arith.constant 8000 : i32
        %mul3A_64 = arith.muli %add3A_46, %mul3A_63 : i32
        %mul3A_65 = arith.constant 8000 : i32
        %mul3A_66 = arith.muli %add3A_46, %mul3A_65 : i32
        %dma_start3A_67 = tpu.memref_slice %arg3[%mul3A_64] : memref<320000xi32, #tpu.memory_space<hbm>> -> memref<8000xi32, #tpu.memory_space<hbm>>
        %dma_start3A_68 = tpu.memref_slice %arg3[%mul3A_64] : memref<320000xi32, #tpu.memory_space<hbm>> -> memref<8000xi32, #tpu.memory_space<hbm>>
        tpu.enqueue_dma source(%dma_start3A_68 : memref<8000xi32, #tpu.memory_space<hbm>>) target(%arg8 : memref<8000xi32, #tpu.memory_space<vmem>>) target_semaphore(%arg13 : memref<!tpu.dma_semaphore, #tpu.memory_space<semaphore_mem>>)
        %dma_start3A_69 = tpu.memref_slice %arg4[%mul3A_66] : memref<320000xf32, #tpu.memory_space<hbm>> -> memref<8000xf32, #tpu.memory_space<hbm>>
        %dma_start3A_70 = tpu.memref_slice %arg4[%mul3A_66] : memref<320000xf32, #tpu.memory_space<hbm>> -> memref<8000xf32, #tpu.memory_space<hbm>>
        tpu.enqueue_dma source(%dma_start3A_70 : memref<8000xf32, #tpu.memory_space<hbm>>) target(%arg9 : memref<8000xf32, #tpu.memory_space<vmem>>) target_semaphore(%arg14 : memref<!tpu.dma_semaphore, #tpu.memory_space<semaphore_mem>>)
      } else {
      }
      %mul3A_52 = arith.constant 8000 : i32
      %mul3A_53 = arith.muli %add3A_44, %mul3A_52 : i32
      %mul3A_54 = arith.constant 8000 : i32
      %mul3A_55 = arith.muli %add3A_44, %mul3A_54 : i32
      %dma_wait3A_56 = tpu.memref_slice %arg3[%mul3A_53] : memref<320000xi32, #tpu.memory_space<hbm>> -> memref<8000xi32, #tpu.memory_space<hbm>>
      %dma_wait3A_57 = tpu.memref_slice %arg3[%mul3A_53] : memref<320000xi32, #tpu.memory_space<hbm>> -> memref<8000xi32, #tpu.memory_space<hbm>>
      tpu.wait_dma2 semaphore(%arg15 : memref<!tpu.dma_semaphore, #tpu.memory_space<semaphore_mem>>) src(%dma_wait3A_57 : memref<8000xi32, #tpu.memory_space<hbm>>) dst(%arg10 : memref<8000xi32, #tpu.memory_space<vmem>>)
      %dma_wait3A_58 = tpu.memref_slice %arg4[%mul3A_55] : memref<320000xf32, #tpu.memory_space<hbm>> -> memref<8000xf32, #tpu.memory_space<hbm>>
      %dma_wait3A_59 = tpu.memref_slice %arg4[%mul3A_55] : memref<320000xf32, #tpu.memory_space<hbm>> -> memref<8000xf32, #tpu.memory_space<hbm>>
      tpu.wait_dma2 semaphore(%arg16 : memref<!tpu.dma_semaphore, #tpu.memory_space<semaphore_mem>>) src(%dma_wait3A_59 : memref<8000xf32, #tpu.memory_space<hbm>>) dst(%arg11 : memref<8000xf32, #tpu.memory_space<vmem>>)
      %parallel_loop3A_60 = arith.constant 0 : i32
      %parallel_loop3A_61 = arith.constant 500 : i32
      %parallel_loop3A_62 = arith.constant 1 : i32
      scf.for %parallel_loop3A_63 = %parallel_loop3A_60 to %parallel_loop3A_61 step %parallel_loop3A_62  : i32 {
        %parallel_loop3A_64 = arith.constant 16 : i32
        %parallel_loop3A_65 = arith.muli %parallel_loop3A_63, %parallel_loop3A_64 : i32
        %parallel_loop3A_66 = arith.index_cast %parallel_loop3A_65 : i32 to index
        %parallel_loop3A_67 = tpu.vector_load %arg10[%parallel_loop3A_66] {strides = array<i32>} : memref<8000xi32, #tpu.memory_space<vmem>>, vector<16xi32>,
        %parallel_loop3A_68 = arith.index_cast %parallel_loop3A_65 : i32 to index
        %parallel_loop3A_69 = tpu.vector_load %arg11[%parallel_loop3A_68] {strides = array<i32>} : memref<8000xf32, #tpu.memory_space<vmem>>, vector<16xf32>,
        %parallel_loop3A_70 = arith.constant 16 : i32
        %parallel_loop3A_71 = vector.broadcast %parallel_loop3A_70 : i32 to vector<16xi32>
        %parallel_loop3A_72 = arith.shrui %parallel_loop3A_67, %parallel_loop3A_71 : vector<16xi32>
        %parallel_loop3A_73 = arith.constant 65535 : i32
        %parallel_loop3A_74 = vector.broadcast %parallel_loop3A_73 : i32 to vector<16xi32>
        %parallel_loop3A_75 = arith.andi %parallel_loop3A_67, %parallel_loop3A_74 : vector<16xi32>
        %parallel_loop3A_76 = arith.constant 0 : i32
        %parallel_loop3A_77 = vector.broadcast %parallel_loop3A_76 : i32 to vector<16xi32>
        %parallel_loop3A_78 = arith.addi %parallel_loop3A_75, %parallel_loop3A_77 : vector<16xi32>
        %parallel_loop3A_79 = tpu.vector_load_idx %arg6[%parallel_loop3A_78] : memref<40000xf32, #tpu.memory_space<vmem>>[vector<16xi32>], vector<16xf32>,
        %parallel_loop3A_80 = arith.constant 0 : i32
        %parallel_loop3A_81 = vector.broadcast %parallel_loop3A_80 : i32 to vector<16xi32>
        %parallel_loop3A_82 = arith.addi %parallel_loop3A_72, %parallel_loop3A_81 : vector<16xi32>
        %parallel_loop3A_83 = arith.mulf %parallel_loop3A_79, %parallel_loop3A_69 : vector<16xf32>
        tpu.vector_store_idx %arg7[%parallel_loop3A_82], %parallel_loop3A_83 {add = true} : memref<40000xf32, #tpu.memory_space<vmem>>[vector<16xi32>], vector<16xf32>,
        %parallel_loop3A_84 = arith.constant 10000 : i32
        %parallel_loop3A_85 = vector.broadcast %parallel_loop3A_84 : i32 to vector<16xi32>
        %parallel_loop3A_86 = arith.addi %parallel_loop3A_75, %parallel_loop3A_85 : vector<16xi32>
        %parallel_loop3A_87 = tpu.vector_load_idx %arg6[%parallel_loop3A_86] : memref<40000xf32, #tpu.memory_space<vmem>>[vector<16xi32>], vector<16xf32>,
        %parallel_loop3A_88 = arith.constant 10000 : i32
        %parallel_loop3A_89 = vector.broadcast %parallel_loop3A_88 : i32 to vector<16xi32>
        %parallel_loop3A_90 = arith.addi %parallel_loop3A_72, %parallel_loop3A_89 : vector<16xi32>
        %parallel_loop3A_91 = arith.mulf %parallel_loop3A_87, %parallel_loop3A_69 : vector<16xf32>
        tpu.vector_store_idx %arg7[%parallel_loop3A_90], %parallel_loop3A_91 {add = true} : memref<40000xf32, #tpu.memory_space<vmem>>[vector<16xi32>], vector<16xf32>,
        %parallel_loop3A_92 = arith.constant 20000 : i32
        %parallel_loop3A_93 = vector.broadcast %parallel_loop3A_92 : i32 to vector<16xi32>
        %parallel_loop3A_94 = arith.addi %parallel_loop3A_75, %parallel_loop3A_93 : vector<16xi32>
        %parallel_loop3A_95 = tpu.vector_load_idx %arg6[%parallel_loop3A_94] : memref<40000xf32, #tpu.memory_space<vmem>>[vector<16xi32>], vector<16xf32>,
        %parallel_loop3A_96 = arith.constant 20000 : i32
        %parallel_loop3A_97 = vector.broadcast %parallel_loop3A_96 : i32 to vector<16xi32>
        %parallel_loop3A_98 = arith.addi %parallel_loop3A_72, %parallel_loop3A_97 : vector<16xi32>
        %parallel_loop3A_99 = arith.mulf %parallel_loop3A_95, %parallel_loop3A_69 : vector<16xf32>
        tpu.vector_store_idx %arg7[%parallel_loop3A_98], %parallel_loop3A_99 {add = true} : memref<40000xf32, #tpu.memory_space<vmem>>[vector<16xi32>], vector<16xf32>,
        %parallel_loop3A_100 = arith.constant 30000 : i32
        %parallel_loop3A_101 = vector.broadcast %parallel_loop3A_100 : i32 to vector<16xi32>
        %parallel_loop3A_102 = arith.addi %parallel_loop3A_75, %parallel_loop3A_101 : vector<16xi32>
        %parallel_loop3A_103 = tpu.vector_load_idx %arg6[%parallel_loop3A_102] : memref<40000xf32, #tpu.memory_space<vmem>>[vector<16xi32>], vector<16xf32>,
        %parallel_loop3A_104 = arith.constant 30000 : i32
        %parallel_loop3A_105 = vector.broadcast %parallel_loop3A_104 : i32 to vector<16xi32>
        %parallel_loop3A_106 = arith.addi %parallel_loop3A_72, %parallel_loop3A_105 : vector<16xi32>
        %parallel_loop3A_107 = arith.mulf %parallel_loop3A_103, %parallel_loop3A_69 : vector<16xf32>
        tpu.vector_store_idx %arg7[%parallel_loop3A_106], %parallel_loop3A_107 {add = true} : memref<40000xf32, #tpu.memory_space<vmem>>[vector<16xi32>], vector<16xf32>,
      } {sc.loop_unroll_factor = 4 : i64, sc.parallel_access}
    }
    %scan3A_20 = arith.constant 20 : i32
    "tpu.region"() ({
      %run_scoped3A = tpu.sem_alloc : memref<!tpu.dma_semaphore, #tpu.memory_space<semaphore_mem>>
      %dma_start3A_21 = tpu.memref_slice %arg5[%mul3A_2] : memref<1280000xf32, #tpu.memory_space<hbm>> -> memref<40000xf32, #tpu.memory_space<hbm>>
      %dma_start3A_22 = tpu.memref_slice %arg5[%mul3A_2] : memref<1280000xf32, #tpu.memory_space<hbm>> -> memref<40000xf32, #tpu.memory_space<hbm>>
      tpu.enqueue_dma source(%arg7 : memref<40000xf32, #tpu.memory_space<vmem>>) target(%dma_start3A_22 : memref<40000xf32, #tpu.memory_space<hbm>>) target_semaphore(%run_scoped3A : memref<!tpu.dma_semaphore, #tpu.memory_space<semaphore_mem>>)
      %dma_wait3A_23 = tpu.memref_slice %arg5[%mul3A_2] : memref<1280000xf32, #tpu.memory_space<hbm>> -> memref<40000xf32, #tpu.memory_space<hbm>>
      %dma_wait3A_24 = tpu.memref_slice %arg5[%mul3A_2] : memref<1280000xf32, #tpu.memory_space<hbm>> -> memref<40000xf32, #tpu.memory_space<hbm>>
      tpu.wait_dma2 semaphore(%run_scoped3A : memref<!tpu.dma_semaphore, #tpu.memory_space<semaphore_mem>>) src(%arg7 : memref<40000xf32, #tpu.memory_space<vmem>>) dst(%dma_wait3A_24 : memref<40000xf32, #tpu.memory_space<hbm>>)
      tpu.yield
    }) : () -> ()
    return
  }
}

#map = affine_map<(d0, d1) -> (0)>
module attributes {stable_mosaic.version = 14 : i64} {
  func.func @_edge_body(%arg0: i32, %arg1: i32, %arg2: memref<1280000xf32, #tpu.memory_space<hbm>>, %arg3: memref<320000xi32, #tpu.memory_space<hbm>>, %arg4: memref<320000xf32, #tpu.memory_space<hbm>>, %arg5: memref<1280000xf32, #tpu.memory_space<hbm>>, %arg6: memref<40000xf32, #tpu.memory_space<vmem>>, %arg7: memref<40000xf32, #tpu.memory_space<vmem>>, %arg8: memref<8000xi32, #tpu.memory_space<vmem>>, %arg9: memref<8000xf32, #tpu.memory_space<vmem>>, %arg10: memref<8000xi32, #tpu.memory_space<vmem>>, %arg11: memref<8000xf32, #tpu.memory_space<vmem>>, %arg12: memref<!tpu.dma_semaphore, #tpu.memory_space<semaphore_mem>>, %arg13: memref<!tpu.dma_semaphore, #tpu.memory_space<semaphore_mem>>, %arg14: memref<!tpu.dma_semaphore, #tpu.memory_space<semaphore_mem>>, %arg15: memref<!tpu.dma_semaphore, #tpu.memory_space<semaphore_mem>>, %arg16: memref<!tpu.dma_semaphore, #tpu.memory_space<semaphore_mem>>) attributes {dimension_semantics = [#tpu.dimension_semantics<core_parallel>, #tpu.dimension_semantics<subcore_parallel>], iteration_bounds = array<i64: 2, 16>, scalar_prefetch = 0 : i64, scratch_operands = 11 : i64, tpu.core_type = #tpu.core_type<sc_vector_subcore>, window_params = [{transform_indices = #map}, {transform_indices = #map}, {transform_indices = #map}, {transform_indices = #map}]} {
    %mul3A = arith.constant 2 : i32
    %mul3A_0 = arith.muli %arg1, %mul3A : i32
    %add3A = arith.addi %mul3A_0, %arg0 : i32
    %mul3A_1 = arith.constant 40000 : i32
    %mul3A_2 = arith.muli %add3A, %mul3A_1 : i32
    %dma_start3A = tpu.memref_slice %arg2[%mul3A_2] : memref<1280000xf32, #tpu.memory_space<hbm>> -> memref<40000xf32, #tpu.memory_space<hbm>>
    %dma_start3A_3 = tpu.memref_slice %arg2[%mul3A_2] : memref<1280000xf32, #tpu.memory_space<hbm>> -> memref<40000xf32, #tpu.memory_space<hbm>>
    tpu.enqueue_dma source(%dma_start3A_3 : memref<40000xf32, #tpu.memory_space<hbm>>) target(%arg6 : memref<40000xf32, #tpu.memory_space<vmem>>) target_semaphore(%arg12 : memref<!tpu.dma_semaphore, #tpu.memory_space<semaphore_mem>>)
    %dma_start3A_4 = arith.constant 0 : i32
    %dma_start3A_5 = tpu.memref_slice %arg3[%dma_start3A_4] : memref<320000xi32, #tpu.memory_space<hbm>> -> memref<8000xi32, #tpu.memory_space<hbm>>
    %dma_start3A_6 = arith.constant 0 : i32
    %dma_start3A_7 = tpu.memref_slice %arg3[%dma_start3A_6] : memref<320000xi32, #tpu.memory_space<hbm>> -> memref<8000xi32, #tpu.memory_space<hbm>>
    tpu.enqueue_dma source(%dma_start3A_7 : memref<8000xi32, #tpu.memory_space<hbm>>) target(%arg8 : memref<8000xi32, #tpu.memory_space<vmem>>) target_semaphore(%arg13 : memref<!tpu.dma_semaphore, #tpu.memory_space<semaphore_mem>>)
    %dma_start3A_8 = arith.constant 0 : i32
    %dma_start3A_9 = tpu.memref_slice %arg4[%dma_start3A_8] : memref<320000xf32, #tpu.memory_space<hbm>> -> memref<8000xf32, #tpu.memory_space<hbm>>
    %dma_start3A_10 = arith.constant 0 : i32
    %dma_start3A_11 = tpu.memref_slice %arg4[%dma_start3A_10] : memref<320000xf32, #tpu.memory_space<hbm>> -> memref<8000xf32, #tpu.memory_space<hbm>>
    tpu.enqueue_dma source(%dma_start3A_11 : memref<8000xf32, #tpu.memory_space<hbm>>) target(%arg9 : memref<8000xf32, #tpu.memory_space<vmem>>) target_semaphore(%arg14 : memref<!tpu.dma_semaphore, #tpu.memory_space<semaphore_mem>>)
    %broadcast_in_dim3A = arith.constant 0.000000e+00 : f32
    %broadcast_in_dim3A_12 = vector.broadcast %broadcast_in_dim3A : f32 to vector<16xf32>
    %parallel_loop3A = arith.constant 0 : i32
    %parallel_loop3A_13 = arith.constant 2500 : i32
    %parallel_loop3A_14 = arith.constant 1 : i32
    scf.for %parallel_loop3A_21 = %parallel_loop3A to %parallel_loop3A_13 step %parallel_loop3A_14  : i32 {
      %parallel_loop3A_22 = arith.constant 16 : i32
      %parallel_loop3A_23 = arith.muli %parallel_loop3A_21, %parallel_loop3A_22 : i32
      %parallel_loop3A_24 = arith.index_cast %parallel_loop3A_23 : i32 to index
      %parallel_loop3A_25 = tpu.vector_load %arg7[%parallel_loop3A_24] {strides = array<i32>} : memref<40000xf32, #tpu.memory_space<vmem>>, vector<16xf32>,
      tpu.vector_store %arg7[%parallel_loop3A_24], %broadcast_in_dim3A_12 {strides = array<i32>} : memref<40000xf32, #tpu.memory_space<vmem>>, vector<16xf32>,
    } {sc.loop_unroll_factor = 10 : i64, sc.parallel_access}
    %dma_wait3A = tpu.memref_slice %arg2[%mul3A_2] : memref<1280000xf32, #tpu.memory_space<hbm>> -> memref<40000xf32, #tpu.memory_space<hbm>>
    %dma_wait3A_15 = tpu.memref_slice %arg2[%mul3A_2] : memref<1280000xf32, #tpu.memory_space<hbm>> -> memref<40000xf32, #tpu.memory_space<hbm>>
    tpu.wait_dma2 semaphore(%arg12 : memref<!tpu.dma_semaphore, #tpu.memory_space<semaphore_mem>>) src(%dma_wait3A_15 : memref<40000xf32, #tpu.memory_space<hbm>>) dst(%arg6 : memref<40000xf32, #tpu.memory_space<vmem>>)
    %scan3A = arith.constant 0 : i32
    %scan3A_16 = arith.constant 0 : i32
    %scan3A_17 = arith.constant 20 : i32
    %scan3A_18 = arith.addi %scan3A_16, %scan3A_17 : i32
    %scan3A_19 = arith.constant 1 : i32
    scf.for %scan3A_21 = %scan3A_16 to %scan3A_18 step %scan3A_19  : i32 {
      %mul3A_22 = arith.constant 2 : i32
      %mul3A_23 = arith.muli %scan3A_21, %mul3A_22 : i32
      %add3A_24 = arith.constant 0 : i32
      %add3A_25 = arith.addi %mul3A_23, %add3A_24 : i32
      %add3A_26 = arith.constant 1 : i32
      %add3A_27 = arith.addi %add3A_25, %add3A_26 : i32
      %lt3A = arith.constant 40 : i32
      %lt3A_28 = arith.cmpi slt, %add3A_27, %lt3A : i32
      %convert_element_type3A = arith.extui %lt3A_28 : i1 to i32
      %cond3A = arith.constant 0 : i32
      %cond3A_29 = arith.cmpi ne, %convert_element_type3A, %cond3A : i32
      scf.if %cond3A_29 {
        %mul3A_63 = arith.constant 8000 : i32
        %mul3A_64 = arith.muli %add3A_27, %mul3A_63 : i32
        %mul3A_65 = arith.constant 8000 : i32
        %mul3A_66 = arith.muli %add3A_27, %mul3A_65 : i32
        %dma_start3A_67 = tpu.memref_slice %arg3[%mul3A_64] : memref<320000xi32, #tpu.memory_space<hbm>> -> memref<8000xi32, #tpu.memory_space<hbm>>
        %dma_start3A_68 = tpu.memref_slice %arg3[%mul3A_64] : memref<320000xi32, #tpu.memory_space<hbm>> -> memref<8000xi32, #tpu.memory_space<hbm>>
        tpu.enqueue_dma source(%dma_start3A_68 : memref<8000xi32, #tpu.memory_space<hbm>>) target(%arg10 : memref<8000xi32, #tpu.memory_space<vmem>>) target_semaphore(%arg15 : memref<!tpu.dma_semaphore, #tpu.memory_space<semaphore_mem>>)
        %dma_start3A_69 = tpu.memref_slice %arg4[%mul3A_66] : memref<320000xf32, #tpu.memory_space<hbm>> -> memref<8000xf32, #tpu.memory_space<hbm>>
        %dma_start3A_70 = tpu.memref_slice %arg4[%mul3A_66] : memref<320000xf32, #tpu.memory_space<hbm>> -> memref<8000xf32, #tpu.memory_space<hbm>>
        tpu.enqueue_dma source(%dma_start3A_70 : memref<8000xf32, #tpu.memory_space<hbm>>) target(%arg11 : memref<8000xf32, #tpu.memory_space<vmem>>) target_semaphore(%arg16 : memref<!tpu.dma_semaphore, #tpu.memory_space<semaphore_mem>>)
      } else {
      }
      %mul3A_30 = arith.constant 8000 : i32
      %mul3A_31 = arith.muli %add3A_25, %mul3A_30 : i32
      %mul3A_32 = arith.constant 8000 : i32
      %mul3A_33 = arith.muli %add3A_25, %mul3A_32 : i32
      %dma_wait3A_34 = tpu.memref_slice %arg3[%mul3A_31] : memref<320000xi32, #tpu.memory_space<hbm>> -> memref<8000xi32, #tpu.memory_space<hbm>>
      %dma_wait3A_35 = tpu.memref_slice %arg3[%mul3A_31] : memref<320000xi32, #tpu.memory_space<hbm>> -> memref<8000xi32, #tpu.memory_space<hbm>>
      tpu.wait_dma2 semaphore(%arg13 : memref<!tpu.dma_semaphore, #tpu.memory_space<semaphore_mem>>) src(%dma_wait3A_35 : memref<8000xi32, #tpu.memory_space<hbm>>) dst(%arg8 : memref<8000xi32, #tpu.memory_space<vmem>>)
      %dma_wait3A_36 = tpu.memref_slice %arg4[%mul3A_33] : memref<320000xf32, #tpu.memory_space<hbm>> -> memref<8000xf32, #tpu.memory_space<hbm>>
      %dma_wait3A_37 = tpu.memref_slice %arg4[%mul3A_33] : memref<320000xf32, #tpu.memory_space<hbm>> -> memref<8000xf32, #tpu.memory_space<hbm>>
      tpu.wait_dma2 semaphore(%arg14 : memref<!tpu.dma_semaphore, #tpu.memory_space<semaphore_mem>>) src(%dma_wait3A_37 : memref<8000xf32, #tpu.memory_space<hbm>>) dst(%arg9 : memref<8000xf32, #tpu.memory_space<vmem>>)
      %parallel_loop3A_38 = arith.constant 0 : i32
      %parallel_loop3A_39 = arith.constant 500 : i32
      %parallel_loop3A_40 = arith.constant 1 : i32
      scf.for %parallel_loop3A_63 = %parallel_loop3A_38 to %parallel_loop3A_39 step %parallel_loop3A_40  : i32 {
        %parallel_loop3A_64 = arith.constant 16 : i32
        %parallel_loop3A_65 = arith.muli %parallel_loop3A_63, %parallel_loop3A_64 : i32
        %parallel_loop3A_66 = arith.index_cast %parallel_loop3A_65 : i32 to index
        %parallel_loop3A_67 = tpu.vector_load %arg8[%parallel_loop3A_66] {strides = array<i32>} : memref<8000xi32, #tpu.memory_space<vmem>>, vector<16xi32>,
        %parallel_loop3A_68 = arith.index_cast %parallel_loop3A_65 : i32 to index
        %parallel_loop3A_69 = tpu.vector_load %arg9[%parallel_loop3A_68] {strides = array<i32>} : memref<8000xf32, #tpu.memory_space<vmem>>, vector<16xf32>,
        %parallel_loop3A_70 = arith.constant 16 : i32
        %parallel_loop3A_71 = vector.broadcast %parallel_loop3A_70 : i32 to vector<16xi32>
        %parallel_loop3A_72 = arith.shrui %parallel_loop3A_67, %parallel_loop3A_71 : vector<16xi32>
        %parallel_loop3A_73 = arith.constant 65535 : i32
        %parallel_loop3A_74 = vector.broadcast %parallel_loop3A_73 : i32 to vector<16xi32>
        %parallel_loop3A_75 = arith.andi %parallel_loop3A_67, %parallel_loop3A_74 : vector<16xi32>
        %parallel_loop3A_76 = arith.constant 0 : i32
        %parallel_loop3A_77 = vector.broadcast %parallel_loop3A_76 : i32 to vector<16xi32>
        %parallel_loop3A_78 = arith.addi %parallel_loop3A_75, %parallel_loop3A_77 : vector<16xi32>
        %parallel_loop3A_79 = tpu.vector_load_idx %arg6[%parallel_loop3A_78] : memref<40000xf32, #tpu.memory_space<vmem>>[vector<16xi32>], vector<16xf32>,
        %parallel_loop3A_80 = arith.constant 0 : i32
        %parallel_loop3A_81 = vector.broadcast %parallel_loop3A_80 : i32 to vector<16xi32>
        %parallel_loop3A_82 = arith.addi %parallel_loop3A_72, %parallel_loop3A_81 : vector<16xi32>
        %parallel_loop3A_83 = arith.mulf %parallel_loop3A_79, %parallel_loop3A_69 : vector<16xf32>
        tpu.vector_store_idx %arg7[%parallel_loop3A_82], %parallel_loop3A_83 {add = true} : memref<40000xf32, #tpu.memory_space<vmem>>[vector<16xi32>], vector<16xf32>,
        %parallel_loop3A_84 = arith.constant 10000 : i32
        %parallel_loop3A_85 = vector.broadcast %parallel_loop3A_84 : i32 to vector<16xi32>
        %parallel_loop3A_86 = arith.addi %parallel_loop3A_75, %parallel_loop3A_85 : vector<16xi32>
        %parallel_loop3A_87 = tpu.vector_load_idx %arg6[%parallel_loop3A_86] : memref<40000xf32, #tpu.memory_space<vmem>>[vector<16xi32>], vector<16xf32>,
        %parallel_loop3A_88 = arith.constant 10000 : i32
        %parallel_loop3A_89 = vector.broadcast %parallel_loop3A_88 : i32 to vector<16xi32>
        %parallel_loop3A_90 = arith.addi %parallel_loop3A_72, %parallel_loop3A_89 : vector<16xi32>
        %parallel_loop3A_91 = arith.mulf %parallel_loop3A_87, %parallel_loop3A_69 : vector<16xf32>
        tpu.vector_store_idx %arg7[%parallel_loop3A_90], %parallel_loop3A_91 {add = true} : memref<40000xf32, #tpu.memory_space<vmem>>[vector<16xi32>], vector<16xf32>,
        %parallel_loop3A_92 = arith.constant 20000 : i32
        %parallel_loop3A_93 = vector.broadcast %parallel_loop3A_92 : i32 to vector<16xi32>
        %parallel_loop3A_94 = arith.addi %parallel_loop3A_75, %parallel_loop3A_93 : vector<16xi32>
        %parallel_loop3A_95 = tpu.vector_load_idx %arg6[%parallel_loop3A_94] : memref<40000xf32, #tpu.memory_space<vmem>>[vector<16xi32>], vector<16xf32>,
        %parallel_loop3A_96 = arith.constant 20000 : i32
        %parallel_loop3A_97 = vector.broadcast %parallel_loop3A_96 : i32 to vector<16xi32>
        %parallel_loop3A_98 = arith.addi %parallel_loop3A_72, %parallel_loop3A_97 : vector<16xi32>
        %parallel_loop3A_99 = arith.mulf %parallel_loop3A_95, %parallel_loop3A_69 : vector<16xf32>
        tpu.vector_store_idx %arg7[%parallel_loop3A_98], %parallel_loop3A_99 {add = true} : memref<40000xf32, #tpu.memory_space<vmem>>[vector<16xi32>], vector<16xf32>,
        %parallel_loop3A_100 = arith.constant 30000 : i32
        %parallel_loop3A_101 = vector.broadcast %parallel_loop3A_100 : i32 to vector<16xi32>
        %parallel_loop3A_102 = arith.addi %parallel_loop3A_75, %parallel_loop3A_101 : vector<16xi32>
        %parallel_loop3A_103 = tpu.vector_load_idx %arg6[%parallel_loop3A_102] : memref<40000xf32, #tpu.memory_space<vmem>>[vector<16xi32>], vector<16xf32>,
        %parallel_loop3A_104 = arith.constant 30000 : i32
        %parallel_loop3A_105 = vector.broadcast %parallel_loop3A_104 : i32 to vector<16xi32>
        %parallel_loop3A_106 = arith.addi %parallel_loop3A_72, %parallel_loop3A_105 : vector<16xi32>
        %parallel_loop3A_107 = arith.mulf %parallel_loop3A_103, %parallel_loop3A_69 : vector<16xf32>
        tpu.vector_store_idx %arg7[%parallel_loop3A_106], %parallel_loop3A_107 {add = true} : memref<40000xf32, #tpu.memory_space<vmem>>[vector<16xi32>], vector<16xf32>,
      } {sc.loop_unroll_factor = 4 : i64, sc.parallel_access}
      %mul3A_41 = arith.constant 2 : i32
      %mul3A_42 = arith.muli %scan3A_21, %mul3A_41 : i32
      %add3A_43 = arith.constant 1 : i32
      %add3A_44 = arith.addi %mul3A_42, %add3A_43 : i32
      %add3A_45 = arith.constant 1 : i32
      %add3A_46 = arith.addi %add3A_44, %add3A_45 : i32
      %lt3A_47 = arith.constant 40 : i32
      %lt3A_48 = arith.cmpi slt, %add3A_46, %lt3A_47 : i32
      %convert_element_type3A_49 = arith.extui %lt3A_48 : i1 to i32
      %cond3A_50 = arith.constant 0 : i32
      %cond3A_51 = arith.cmpi ne, %convert_element_type3A_49, %cond3A_50 : i32
      scf.if %cond3A_51 {
        %mul3A_63 = arith.constant 8000 : i32
        %mul3A_64 = arith.muli %add3A_46, %mul3A_63 : i32
        %mul3A_65 = arith.constant 8000 : i32
        %mul3A_66 = arith.muli %add3A_46, %mul3A_65 : i32
        %dma_start3A_67 = tpu.memref_slice %arg3[%mul3A_64] : memref<320000xi32, #tpu.memory_space<hbm>> -> memref<8000xi32, #tpu.memory_space<hbm>>
        %dma_start3A_68 = tpu.memref_slice %arg3[%mul3A_64] : memref<320000xi32, #tpu.memory_space<hbm>> -> memref<8000xi32, #tpu.memory_space<hbm>>
        tpu.enqueue_dma source(%dma_start3A_68 : memref<8000xi32, #tpu.memory_space<hbm>>) target(%arg8 : memref<8000xi32, #tpu.memory_space<vmem>>) target_semaphore(%arg13 : memref<!tpu.dma_semaphore, #tpu.memory_space<semaphore_mem>>)
        %dma_start3A_69 = tpu.memref_slice %arg4[%mul3A_66] : memref<320000xf32, #tpu.memory_space<hbm>> -> memref<8000xf32, #tpu.memory_space<hbm>>
        %dma_start3A_70 = tpu.memref_slice %arg4[%mul3A_66] : memref<320000xf32, #tpu.memory_space<hbm>> -> memref<8000xf32, #tpu.memory_space<hbm>>
        tpu.enqueue_dma source(%dma_start3A_70 : memref<8000xf32, #tpu.memory_space<hbm>>) target(%arg9 : memref<8000xf32, #tpu.memory_space<vmem>>) target_semaphore(%arg14 : memref<!tpu.dma_semaphore, #tpu.memory_space<semaphore_mem>>)
      } else {
      }
      %mul3A_52 = arith.constant 8000 : i32
      %mul3A_53 = arith.muli %add3A_44, %mul3A_52 : i32
      %mul3A_54 = arith.constant 8000 : i32
      %mul3A_55 = arith.muli %add3A_44, %mul3A_54 : i32
      %dma_wait3A_56 = tpu.memref_slice %arg3[%mul3A_53] : memref<320000xi32, #tpu.memory_space<hbm>> -> memref<8000xi32, #tpu.memory_space<hbm>>
      %dma_wait3A_57 = tpu.memref_slice %arg3[%mul3A_53] : memref<320000xi32, #tpu.memory_space<hbm>> -> memref<8000xi32, #tpu.memory_space<hbm>>
      tpu.wait_dma2 semaphore(%arg15 : memref<!tpu.dma_semaphore, #tpu.memory_space<semaphore_mem>>) src(%dma_wait3A_57 : memref<8000xi32, #tpu.memory_space<hbm>>) dst(%arg10 : memref<8000xi32, #tpu.memory_space<vmem>>)
      %dma_wait3A_58 = tpu.memref_slice %arg4[%mul3A_55] : memref<320000xf32, #tpu.memory_space<hbm>> -> memref<8000xf32, #tpu.memory_space<hbm>>
      %dma_wait3A_59 = tpu.memref_slice %arg4[%mul3A_55] : memref<320000xf32, #tpu.memory_space<hbm>> -> memref<8000xf32, #tpu.memory_space<hbm>>
      tpu.wait_dma2 semaphore(%arg16 : memref<!tpu.dma_semaphore, #tpu.memory_space<semaphore_mem>>) src(%dma_wait3A_59 : memref<8000xf32, #tpu.memory_space<hbm>>) dst(%arg11 : memref<8000xf32, #tpu.memory_space<vmem>>)
      %parallel_loop3A_60 = arith.constant 0 : i32
      %parallel_loop3A_61 = arith.constant 500 : i32
      %parallel_loop3A_62 = arith.constant 1 : i32
      scf.for %parallel_loop3A_63 = %parallel_loop3A_60 to %parallel_loop3A_61 step %parallel_loop3A_62  : i32 {
        %parallel_loop3A_64 = arith.constant 16 : i32
        %parallel_loop3A_65 = arith.muli %parallel_loop3A_63, %parallel_loop3A_64 : i32
        %parallel_loop3A_66 = arith.index_cast %parallel_loop3A_65 : i32 to index
        %parallel_loop3A_67 = tpu.vector_load %arg10[%parallel_loop3A_66] {strides = array<i32>} : memref<8000xi32, #tpu.memory_space<vmem>>, vector<16xi32>,
        %parallel_loop3A_68 = arith.index_cast %parallel_loop3A_65 : i32 to index
        %parallel_loop3A_69 = tpu.vector_load %arg11[%parallel_loop3A_68] {strides = array<i32>} : memref<8000xf32, #tpu.memory_space<vmem>>, vector<16xf32>,
        %parallel_loop3A_70 = arith.constant 16 : i32
        %parallel_loop3A_71 = vector.broadcast %parallel_loop3A_70 : i32 to vector<16xi32>
        %parallel_loop3A_72 = arith.shrui %parallel_loop3A_67, %parallel_loop3A_71 : vector<16xi32>
        %parallel_loop3A_73 = arith.constant 65535 : i32
        %parallel_loop3A_74 = vector.broadcast %parallel_loop3A_73 : i32 to vector<16xi32>
        %parallel_loop3A_75 = arith.andi %parallel_loop3A_67, %parallel_loop3A_74 : vector<16xi32>
        %parallel_loop3A_76 = arith.constant 0 : i32
        %parallel_loop3A_77 = vector.broadcast %parallel_loop3A_76 : i32 to vector<16xi32>
        %parallel_loop3A_78 = arith.addi %parallel_loop3A_75, %parallel_loop3A_77 : vector<16xi32>
        %parallel_loop3A_79 = tpu.vector_load_idx %arg6[%parallel_loop3A_78] : memref<40000xf32, #tpu.memory_space<vmem>>[vector<16xi32>], vector<16xf32>,
        %parallel_loop3A_80 = arith.constant 0 : i32
        %parallel_loop3A_81 = vector.broadcast %parallel_loop3A_80 : i32 to vector<16xi32>
        %parallel_loop3A_82 = arith.addi %parallel_loop3A_72, %parallel_loop3A_81 : vector<16xi32>
        %parallel_loop3A_83 = arith.mulf %parallel_loop3A_79, %parallel_loop3A_69 : vector<16xf32>
        tpu.vector_store_idx %arg7[%parallel_loop3A_82], %parallel_loop3A_83 {add = true} : memref<40000xf32, #tpu.memory_space<vmem>>[vector<16xi32>], vector<16xf32>,
        %parallel_loop3A_84 = arith.constant 10000 : i32
        %parallel_loop3A_85 = vector.broadcast %parallel_loop3A_84 : i32 to vector<16xi32>
        %parallel_loop3A_86 = arith.addi %parallel_loop3A_75, %parallel_loop3A_85 : vector<16xi32>
        %parallel_loop3A_87 = tpu.vector_load_idx %arg6[%parallel_loop3A_86] : memref<40000xf32, #tpu.memory_space<vmem>>[vector<16xi32>], vector<16xf32>,
        %parallel_loop3A_88 = arith.constant 10000 : i32
        %parallel_loop3A_89 = vector.broadcast %parallel_loop3A_88 : i32 to vector<16xi32>
        %parallel_loop3A_90 = arith.addi %parallel_loop3A_72, %parallel_loop3A_89 : vector<16xi32>
        %parallel_loop3A_91 = arith.mulf %parallel_loop3A_87, %parallel_loop3A_69 : vector<16xf32>
        tpu.vector_store_idx %arg7[%parallel_loop3A_90], %parallel_loop3A_91 {add = true} : memref<40000xf32, #tpu.memory_space<vmem>>[vector<16xi32>], vector<16xf32>,
        %parallel_loop3A_92 = arith.constant 20000 : i32
        %parallel_loop3A_93 = vector.broadcast %parallel_loop3A_92 : i32 to vector<16xi32>
        %parallel_loop3A_94 = arith.addi %parallel_loop3A_75, %parallel_loop3A_93 : vector<16xi32>
        %parallel_loop3A_95 = tpu.vector_load_idx %arg6[%parallel_loop3A_94] : memref<40000xf32, #tpu.memory_space<vmem>>[vector<16xi32>], vector<16xf32>,
        %parallel_loop3A_96 = arith.constant 20000 : i32
        %parallel_loop3A_97 = vector.broadcast %parallel_loop3A_96 : i32 to vector<16xi32>
        %parallel_loop3A_98 = arith.addi %parallel_loop3A_72, %parallel_loop3A_97 : vector<16xi32>
        %parallel_loop3A_99 = arith.mulf %parallel_loop3A_95, %parallel_loop3A_69 : vector<16xf32>
        tpu.vector_store_idx %arg7[%parallel_loop3A_98], %parallel_loop3A_99 {add = true} : memref<40000xf32, #tpu.memory_space<vmem>>[vector<16xi32>], vector<16xf32>,
        %parallel_loop3A_100 = arith.constant 30000 : i32
        %parallel_loop3A_101 = vector.broadcast %parallel_loop3A_100 : i32 to vector<16xi32>
        %parallel_loop3A_102 = arith.addi %parallel_loop3A_75, %parallel_loop3A_101 : vector<16xi32>
        %parallel_loop3A_103 = tpu.vector_load_idx %arg6[%parallel_loop3A_102] : memref<40000xf32, #tpu.memory_space<vmem>>[vector<16xi32>], vector<16xf32>,
        %parallel_loop3A_104 = arith.constant 30000 : i32
        %parallel_loop3A_105 = vector.broadcast %parallel_loop3A_104 : i32 to vector<16xi32>
        %parallel_loop3A_106 = arith.addi %parallel_loop3A_72, %parallel_loop3A_105 : vector<16xi32>
        %parallel_loop3A_107 = arith.mulf %parallel_loop3A_103, %parallel_loop3A_69 : vector<16xf32>
        tpu.vector_store_idx %arg7[%parallel_loop3A_106], %parallel_loop3A_107 {add = true} : memref<40000xf32, #tpu.memory_space<vmem>>[vector<16xi32>], vector<16xf32>,
      } {sc.loop_unroll_factor = 4 : i64, sc.parallel_access}
    }
    %scan3A_20 = arith.constant 20 : i32
    "tpu.region"() ({
      %run_scoped3A = tpu.sem_alloc : memref<!tpu.dma_semaphore, #tpu.memory_space<semaphore_mem>>
      %dma_start3A_21 = tpu.memref_slice %arg5[%mul3A_2] : memref<1280000xf32, #tpu.memory_space<hbm>> -> memref<40000xf32, #tpu.memory_space<hbm>>
      %dma_start3A_22 = tpu.memref_slice %arg5[%mul3A_2] : memref<1280000xf32, #tpu.memory_space<hbm>> -> memref<40000xf32, #tpu.memory_space<hbm>>
      tpu.enqueue_dma source(%arg7 : memref<40000xf32, #tpu.memory_space<vmem>>) target(%dma_start3A_22 : memref<40000xf32, #tpu.memory_space<hbm>>) target_semaphore(%run_scoped3A : memref<!tpu.dma_semaphore, #tpu.memory_space<semaphore_mem>>)
      %dma_wait3A_23 = tpu.memref_slice %arg5[%mul3A_2] : memref<1280000xf32, #tpu.memory_space<hbm>> -> memref<40000xf32, #tpu.memory_space<hbm>>
      %dma_wait3A_24 = tpu.memref_slice %arg5[%mul3A_2] : memref<1280000xf32, #tpu.memory_space<hbm>> -> memref<40000xf32, #tpu.memory_space<hbm>>
      tpu.wait_dma2 semaphore(%run_scoped3A : memref<!tpu.dma_semaphore, #tpu.memory_space<semaphore_mem>>) src(%arg7 : memref<40000xf32, #tpu.memory_space<vmem>>) dst(%dma_wait3A_24 : memref<40000xf32, #tpu.memory_space<hbm>>)
      tpu.yield
    }) : () -> ()
    return
  }
}

module attributes {stable_mosaic.version = 14 : i64} {
  func.func @_dense_in_body(%arg0: memref<2000x512xf32, #tpu.memory_space<vmem>>, %arg1: memref<512x128xf32, #tpu.memory_space<vmem>>, %arg2: memref<128x128xf32, #tpu.memory_space<vmem>>, %arg3: memref<128x2000xf32, #tpu.memory_space<vmem>>) attributes {dimension_semantics = [], scalar_prefetch = 0 : i64, scratch_operands = 0 : i64, tpu.core_type = #tpu.core_type<tc>} {
    %get3A = arith.constant 0 : index
    %get3A_0 = arith.constant 0 : index
    %get3A_1 = vector.load %arg0[%get3A, %get3A_0] : memref<2000x512xf32, #tpu.memory_space<vmem>>, vector<2000x512xf32>
    %mul3A = arith.mulf %get3A_1, %get3A_1 : vector<2000x512xf32>
    %reduce_sum3A = arith.constant dense<0.000000e+00> : vector<2000xf32>
    %reduce_sum3A_2 = vector.multi_reduction <add>, %mul3A, %reduce_sum3A [1] : vector<2000x512xf32> to vector<2000xf32>
    %broadcast_in_dim3A = vector.shape_cast %reduce_sum3A_2 : vector<2000xf32> to vector<2000x1xf32>
    %sqrt3A = math.sqrt %broadcast_in_dim3A : vector<2000x1xf32>
    %max3A = arith.constant 9.99999996E-13 : f32
    %max3A_3 = vector.broadcast %max3A : f32 to vector<2000x1xf32>
    %max3A_4 = arith.maximumf %sqrt3A, %max3A_3 : vector<2000x1xf32>
    %div3A = vector.broadcast %max3A_4 : vector<2000x1xf32> to vector<2000x512xf32>
    %div3A_5 = arith.divf %get3A_1, %div3A : vector<2000x512xf32>
    %get3A_6 = arith.constant 0 : index
    %get3A_7 = arith.constant 0 : index
    %get3A_8 = vector.load %arg1[%get3A_6, %get3A_7] : memref<512x128xf32, #tpu.memory_space<vmem>>, vector<512x128xf32>
    %dot_general3A = arith.constant dense<0.000000e+00> : vector<2000x128xf32>
    %dot_general3A_9 = tpu.matmul %div3A_5, %get3A_8, %dot_general3A {dimension_numbers = #tpu.dot_dimension_numbers<[1], [0], [0], [1], [0, 0, 1, 1], [], []>, transpose_lhs_hint = false} : vector<2000x512xf32>, vector<512x128xf32>, vector<2000x128xf32> -> vector<2000x128xf32>
    %get3A_10 = arith.constant 0 : index
    %get3A_11 = arith.constant 0 : index
    %get3A_12 = vector.load %arg2[%get3A_10, %get3A_11] : memref<128x128xf32, #tpu.memory_space<vmem>>, vector<128x128xf32>
    %dot_general3A_13 = arith.constant dense<0.000000e+00> : vector<2000x128xf32>
    %dot_general3A_14 = tpu.matmul %dot_general3A_9, %get3A_12, %dot_general3A_13 {dimension_numbers = #tpu.dot_dimension_numbers<[1], [0], [0], [1], [0, 0, 1, 1], [], []>, transpose_lhs_hint = false} : vector<2000x128xf32>, vector<128x128xf32>, vector<2000x128xf32> -> vector<2000x128xf32>
    %iota3A = tpu.iota {dimensions = array<i32: 0>} : vector<128x128xi32>
    %iota3A_15 = tpu.iota {dimensions = array<i32: 1>} : vector<128x128xi32>
    %eq3A = arith.cmpi eq, %iota3A, %iota3A_15 : vector<128x128xi32>
    %convert_element_type3A = arith.extui %eq3A : vector<128x128xi1> to vector<128x128xi32>
    %convert_element_type3A_16 = arith.sitofp %convert_element_type3A : vector<128x128xi32> to vector<128x128xf32>
    %dot_general3A_17 = arith.constant dense<0.000000e+00> : vector<128x2000xf32>
    %dot_general3A_18 = tpu.matmul %convert_element_type3A_16, %dot_general3A_14, %dot_general3A_17 {dimension_numbers = #tpu.dot_dimension_numbers<[1], [1], [0], [0], [0, 0, 1, 0], [], []>, precision = #tpu.contract_precision<fp32>, transpose_lhs_hint = false} : vector<128x128xf32>, vector<2000x128xf32>, vector<128x2000xf32> -> vector<128x2000xf32>
    %swap3A = arith.constant 0 : index
    %swap3A_19 = arith.constant 0 : index
    %swap3A_20 = vector.load %arg3[%swap3A, %swap3A_19] : memref<128x2000xf32, #tpu.memory_space<vmem>>, vector<128x2000xf32>
    tpu.vector_store %arg3[%swap3A, %swap3A_19], %dot_general3A_18 {strides = array<i32>} : memref<128x2000xf32, #tpu.memory_space<vmem>>, vector<128x2000xf32>,
    return
  }
}

module attributes {stable_mosaic.version = 14 : i64} {
  func.func @_dense_in_body(%arg0: memref<8000x512xf32, #tpu.memory_space<vmem>>, %arg1: memref<512x128xf32, #tpu.memory_space<vmem>>, %arg2: memref<128x128xf32, #tpu.memory_space<vmem>>, %arg3: memref<128x8000xf32, #tpu.memory_space<vmem>>) attributes {dimension_semantics = [], scalar_prefetch = 0 : i64, scratch_operands = 0 : i64, tpu.core_type = #tpu.core_type<tc>} {
    %get3A = arith.constant 0 : index
    %get3A_0 = arith.constant 0 : index
    %get3A_1 = vector.load %arg0[%get3A, %get3A_0] : memref<8000x512xf32, #tpu.memory_space<vmem>>, vector<8000x512xf32>
    %mul3A = arith.mulf %get3A_1, %get3A_1 : vector<8000x512xf32>
    %reduce_sum3A = arith.constant dense<0.000000e+00> : vector<8000xf32>
    %reduce_sum3A_2 = vector.multi_reduction <add>, %mul3A, %reduce_sum3A [1] : vector<8000x512xf32> to vector<8000xf32>
    %broadcast_in_dim3A = vector.shape_cast %reduce_sum3A_2 : vector<8000xf32> to vector<8000x1xf32>
    %sqrt3A = math.sqrt %broadcast_in_dim3A : vector<8000x1xf32>
    %max3A = arith.constant 9.99999996E-13 : f32
    %max3A_3 = vector.broadcast %max3A : f32 to vector<8000x1xf32>
    %max3A_4 = arith.maximumf %sqrt3A, %max3A_3 : vector<8000x1xf32>
    %div3A = vector.broadcast %max3A_4 : vector<8000x1xf32> to vector<8000x512xf32>
    %div3A_5 = arith.divf %get3A_1, %div3A : vector<8000x512xf32>
    %get3A_6 = arith.constant 0 : index
    %get3A_7 = arith.constant 0 : index
    %get3A_8 = vector.load %arg1[%get3A_6, %get3A_7] : memref<512x128xf32, #tpu.memory_space<vmem>>, vector<512x128xf32>
    %dot_general3A = arith.constant dense<0.000000e+00> : vector<8000x128xf32>
    %dot_general3A_9 = tpu.matmul %div3A_5, %get3A_8, %dot_general3A {dimension_numbers = #tpu.dot_dimension_numbers<[1], [0], [0], [1], [0, 0, 1, 1], [], []>, transpose_lhs_hint = false} : vector<8000x512xf32>, vector<512x128xf32>, vector<8000x128xf32> -> vector<8000x128xf32>
    %get3A_10 = arith.constant 0 : index
    %get3A_11 = arith.constant 0 : index
    %get3A_12 = vector.load %arg2[%get3A_10, %get3A_11] : memref<128x128xf32, #tpu.memory_space<vmem>>, vector<128x128xf32>
    %dot_general3A_13 = arith.constant dense<0.000000e+00> : vector<8000x128xf32>
    %dot_general3A_14 = tpu.matmul %dot_general3A_9, %get3A_12, %dot_general3A_13 {dimension_numbers = #tpu.dot_dimension_numbers<[1], [0], [0], [1], [0, 0, 1, 1], [], []>, transpose_lhs_hint = false} : vector<8000x128xf32>, vector<128x128xf32>, vector<8000x128xf32> -> vector<8000x128xf32>
    %iota3A = tpu.iota {dimensions = array<i32: 0>} : vector<128x128xi32>
    %iota3A_15 = tpu.iota {dimensions = array<i32: 1>} : vector<128x128xi32>
    %eq3A = arith.cmpi eq, %iota3A, %iota3A_15 : vector<128x128xi32>
    %convert_element_type3A = arith.extui %eq3A : vector<128x128xi1> to vector<128x128xi32>
    %convert_element_type3A_16 = arith.sitofp %convert_element_type3A : vector<128x128xi32> to vector<128x128xf32>
    %dot_general3A_17 = arith.constant dense<0.000000e+00> : vector<128x8000xf32>
    %dot_general3A_18 = tpu.matmul %convert_element_type3A_16, %dot_general3A_14, %dot_general3A_17 {dimension_numbers = #tpu.dot_dimension_numbers<[1], [1], [0], [0], [0, 0, 1, 0], [], []>, precision = #tpu.contract_precision<fp32>, transpose_lhs_hint = false} : vector<128x128xf32>, vector<8000x128xf32>, vector<128x8000xf32> -> vector<128x8000xf32>
    %swap3A = arith.constant 0 : index
    %swap3A_19 = arith.constant 0 : index
    %swap3A_20 = vector.load %arg3[%swap3A, %swap3A_19] : memref<128x8000xf32, #tpu.memory_space<vmem>>, vector<128x8000xf32>
    tpu.vector_store %arg3[%swap3A, %swap3A_19], %dot_general3A_18 {strides = array<i32>} : memref<128x8000xf32, #tpu.memory_space<vmem>>, vector<128x8000xf32>,
    return
  }
}

module attributes {stable_mosaic.version = 14 : i64} {
  func.func @_pack_body(%arg0: memref<2500x128xi32, #tpu.memory_space<vmem>>, %arg1: memref<2500x128xi32, #tpu.memory_space<vmem>>, %arg2: memref<2500x128xi32, #tpu.memory_space<vmem>>) attributes {dimension_semantics = [], scalar_prefetch = 0 : i64, scratch_operands = 0 : i64, tpu.core_type = #tpu.core_type<tc>} {
    %get3A = arith.constant 0 : index
    %get3A_0 = arith.constant 0 : index
    %get3A_1 = vector.load %arg0[%get3A, %get3A_0] : memref<2500x128xi32, #tpu.memory_space<vmem>>, vector<2500x128xi32>
    %shift_left3A = arith.constant 16 : i32
    %shift_left3A_2 = vector.broadcast %shift_left3A : i32 to vector<2500x128xi32>
    %shift_left3A_3 = arith.shli %get3A_1, %shift_left3A_2 : vector<2500x128xi32>
    %get3A_4 = arith.constant 0 : index
    %get3A_5 = arith.constant 0 : index
    %get3A_6 = vector.load %arg1[%get3A_4, %get3A_5] : memref<2500x128xi32, #tpu.memory_space<vmem>>, vector<2500x128xi32>
    %or3A = arith.ori %shift_left3A_3, %get3A_6 : vector<2500x128xi32>
    %swap3A = arith.constant 0 : index
    %swap3A_7 = arith.constant 0 : index
    %swap3A_8 = vector.load %arg2[%swap3A, %swap3A_7] : memref<2500x128xi32, #tpu.memory_space<vmem>>, vector<2500x128xi32>
    tpu.vector_store %arg2[%swap3A, %swap3A_7], %or3A {strides = array<i32>} : memref<2500x128xi32, #tpu.memory_space<vmem>>, vector<2500x128xi32>,
    return
  }
}

module attributes {stable_mosaic.version = 14 : i64} {
  func.func @_mid_body(%arg0: memref<128x10000xf32, #tpu.memory_space<vmem>>, %arg1: memref<128x1xf32, #tpu.memory_space<vmem>>, %arg2: memref<128x128xf32, #tpu.memory_space<vmem>>, %arg3: memref<128x10000xf32, #tpu.memory_space<vmem>>) attributes {dimension_semantics = [], scalar_prefetch = 0 : i64, scratch_operands = 0 : i64, tpu.core_type = #tpu.core_type<tc>} {
    %get3A = arith.constant 0 : index
    %get3A_0 = arith.constant 0 : index
    %get3A_1 = vector.load %arg0[%get3A, %get3A_0] : memref<128x10000xf32, #tpu.memory_space<vmem>>, vector<128x10000xf32>
    %get3A_2 = arith.constant 0 : index
    %get3A_3 = arith.constant 0 : index
    %get3A_4 = vector.load %arg1[%get3A_2, %get3A_3] : memref<128x1xf32, #tpu.memory_space<vmem>>, vector<128x1xf32>
    %add3A = vector.broadcast %get3A_4 : vector<128x1xf32> to vector<128x10000xf32>
    %add3A_5 = arith.addf %get3A_1, %add3A : vector<128x10000xf32>
    %max3A = arith.constant 0.000000e+00 : f32
    %max3A_6 = vector.broadcast %max3A : f32 to vector<128x10000xf32>
    %max3A_7 = arith.maximumf %add3A_5, %max3A_6 : vector<128x10000xf32>
    %get3A_8 = arith.constant 0 : index
    %get3A_9 = arith.constant 0 : index
    %get3A_10 = vector.load %arg2[%get3A_8, %get3A_9] : memref<128x128xf32, #tpu.memory_space<vmem>>, vector<128x128xf32>
    %dot_general3A = arith.constant dense<0.000000e+00> : vector<128x10000xf32>
    %dot_general3A_11 = tpu.matmul %get3A_10, %max3A_7, %dot_general3A {dimension_numbers = #tpu.dot_dimension_numbers<[0], [0], [1], [1], [0, 1, 1, 1], [], []>, transpose_lhs_hint = false} : vector<128x128xf32>, vector<128x10000xf32>, vector<128x10000xf32> -> vector<128x10000xf32>
    %swap3A = arith.constant 0 : index
    %swap3A_12 = arith.constant 0 : index
    %swap3A_13 = vector.load %arg3[%swap3A, %swap3A_12] : memref<128x10000xf32, #tpu.memory_space<vmem>>, vector<128x10000xf32>
    tpu.vector_store %arg3[%swap3A, %swap3A_12], %dot_general3A_11 {strides = array<i32>} : memref<128x10000xf32, #tpu.memory_space<vmem>>, vector<128x10000xf32>,
    return
  }
}

module attributes {stable_mosaic.version = 14 : i64} {
  func.func @_h_body(%arg0: memref<128x10000xf32, #tpu.memory_space<vmem>>, %arg1: memref<128x1xf32, #tpu.memory_space<vmem>>, %arg2: memref<10000x128xf32, #tpu.memory_space<vmem>>) attributes {dimension_semantics = [], scalar_prefetch = 0 : i64, scratch_operands = 0 : i64, tpu.core_type = #tpu.core_type<tc>} {
    %get3A = arith.constant 0 : index
    %get3A_0 = arith.constant 0 : index
    %get3A_1 = vector.load %arg0[%get3A, %get3A_0] : memref<128x10000xf32, #tpu.memory_space<vmem>>, vector<128x10000xf32>
    %get3A_2 = arith.constant 0 : index
    %get3A_3 = arith.constant 0 : index
    %get3A_4 = vector.load %arg1[%get3A_2, %get3A_3] : memref<128x1xf32, #tpu.memory_space<vmem>>, vector<128x1xf32>
    %add3A = vector.broadcast %get3A_4 : vector<128x1xf32> to vector<128x10000xf32>
    %add3A_5 = arith.addf %get3A_1, %add3A : vector<128x10000xf32>
    %max3A = arith.constant 0.000000e+00 : f32
    %max3A_6 = vector.broadcast %max3A : f32 to vector<128x10000xf32>
    %max3A_7 = arith.maximumf %add3A_5, %max3A_6 : vector<128x10000xf32>
    %iota3A = tpu.iota {dimensions = array<i32: 0>} : vector<128x128xi32>
    %iota3A_8 = tpu.iota {dimensions = array<i32: 1>} : vector<128x128xi32>
    %eq3A = arith.cmpi eq, %iota3A, %iota3A_8 : vector<128x128xi32>
    %convert_element_type3A = arith.extui %eq3A : vector<128x128xi1> to vector<128x128xi32>
    %convert_element_type3A_9 = arith.sitofp %convert_element_type3A : vector<128x128xi32> to vector<128x128xf32>
    %dot_general3A = arith.constant dense<0.000000e+00> : vector<10000x128xf32>
    %dot_general3A_10 = tpu.matmul %max3A_7, %convert_element_type3A_9, %dot_general3A {dimension_numbers = #tpu.dot_dimension_numbers<[0], [0], [1], [1], [0, 1, 1, 1], [], []>, precision = #tpu.contract_precision<fp32>, transpose_lhs_hint = false} : vector<128x10000xf32>, vector<128x128xf32>, vector<10000x128xf32> -> vector<10000x128xf32>
    %swap3A = arith.constant 0 : index
    %swap3A_11 = arith.constant 0 : index
    %swap3A_12 = vector.load %arg2[%swap3A, %swap3A_11] : memref<10000x128xf32, #tpu.memory_space<vmem>>, vector<10000x128xf32>
    tpu.vector_store %arg2[%swap3A, %swap3A_11], %dot_general3A_10 {strides = array<i32>} : memref<10000x128xf32, #tpu.memory_space<vmem>>, vector<10000x128xf32>,
    return
  }
}

module attributes {stable_mosaic.version = 14 : i64} {
  func.func @_dec_body(%arg0: i32, %arg1: memref<400x128xf32, #tpu.memory_space<vmem>>, %arg2: memref<128x8000xf32, #tpu.memory_space<vmem>>, %arg3: memref<128x1xf32, #tpu.memory_space<vmem>>, %arg4: memref<128x128xf32, #tpu.memory_space<vmem>>, %arg5: memref<400x8000xf32, #tpu.memory_space<vmem>>) attributes {dimension_semantics = [#tpu.dimension_semantics<arbitrary>], iteration_bounds = array<i64: 5>, scalar_prefetch = 0 : i64, scratch_operands = 0 : i64, tpu.core_type = #tpu.core_type<tc>, window_params = [{transform_indices = @transform_0, window_bounds = array<i64: 400, 128>}, {pipeline_mode = #tpu.pipeline_mode<synchronous>, transform_indices = @transform_1, window_bounds = array<i64: 128, 8000>}, {pipeline_mode = #tpu.pipeline_mode<synchronous>, transform_indices = @transform_2, window_bounds = array<i64: 128, 1>}, {pipeline_mode = #tpu.pipeline_mode<synchronous>, transform_indices = @transform_3, window_bounds = array<i64: 128, 128>}, {transform_indices = @transform_4, window_bounds = array<i64: 400, 8000>}]} {
    %get3A = arith.constant 0 : index
    %get3A_0 = arith.constant 0 : index
    %get3A_1 = vector.load %arg1[%get3A, %get3A_0] : memref<400x128xf32, #tpu.memory_space<vmem>>, vector<400x128xf32>
    %get3A_2 = arith.constant 0 : index
    %get3A_3 = arith.constant 0 : index
    %get3A_4 = vector.load %arg4[%get3A_2, %get3A_3] : memref<128x128xf32, #tpu.memory_space<vmem>>, vector<128x128xf32>
    %dot_general3A = arith.constant dense<0.000000e+00> : vector<400x128xf32>
    %dot_general3A_5 = tpu.matmul %get3A_1, %get3A_4, %dot_general3A {dimension_numbers = #tpu.dot_dimension_numbers<[1], [0], [0], [1], [0, 0, 1, 1], [], []>, transpose_lhs_hint = false} : vector<400x128xf32>, vector<128x128xf32>, vector<400x128xf32> -> vector<400x128xf32>
    %get3A_6 = arith.constant 0 : index
    %get3A_7 = arith.constant 0 : index
    %get3A_8 = vector.load %arg2[%get3A_6, %get3A_7] : memref<128x8000xf32, #tpu.memory_space<vmem>>, vector<128x8000xf32>
    %get3A_9 = arith.constant 0 : index
    %get3A_10 = arith.constant 0 : index
    %get3A_11 = vector.load %arg3[%get3A_9, %get3A_10] : memref<128x1xf32, #tpu.memory_space<vmem>>, vector<128x1xf32>
    %add3A = vector.broadcast %get3A_11 : vector<128x1xf32> to vector<128x8000xf32>
    %add3A_12 = arith.addf %get3A_8, %add3A : vector<128x8000xf32>
    %max3A = arith.constant 0.000000e+00 : f32
    %max3A_13 = vector.broadcast %max3A : f32 to vector<128x8000xf32>
    %max3A_14 = arith.maximumf %add3A_12, %max3A_13 : vector<128x8000xf32>
    %dot_general3A_15 = arith.constant dense<0.000000e+00> : vector<400x8000xf32>
    %dot_general3A_16 = tpu.matmul %dot_general3A_5, %max3A_14, %dot_general3A_15 {dimension_numbers = #tpu.dot_dimension_numbers<[1], [0], [0], [1], [0, 0, 1, 1], [], []>, transpose_lhs_hint = false} : vector<400x128xf32>, vector<128x8000xf32>, vector<400x8000xf32> -> vector<400x8000xf32>
    %swap3A = arith.constant 0 : index
    %swap3A_17 = arith.constant 0 : index
    %swap3A_18 = vector.load %arg5[%swap3A, %swap3A_17] : memref<400x8000xf32, #tpu.memory_space<vmem>>, vector<400x8000xf32>
    tpu.vector_store %arg5[%swap3A, %swap3A_17], %dot_general3A_16 {strides = array<i32>} : memref<400x8000xf32, #tpu.memory_space<vmem>>, vector<400x8000xf32>,
    return
  }
  func.func @transform_0(%arg0: i32) -> (i32, i32) {
    %c0_i32 = arith.constant 0 : i32
    %c0_i32_0 = arith.constant 0 : i32
    return %arg0, %c0_i32 : i32, i32
  }
  func.func @transform_1(%arg0: i32) -> (i32, i32) {
    %c0_i32 = arith.constant 0 : i32
    %c0_i32_0 = arith.constant 0 : i32
    %c0_i32_1 = arith.constant 0 : i32
    return %c0_i32, %c0_i32_0 : i32, i32
  }
  func.func @transform_2(%arg0: i32) -> (i32, i32) {
    %c0_i32 = arith.constant 0 : i32
    %c0_i32_0 = arith.constant 0 : i32
    %c0_i32_1 = arith.constant 0 : i32
    return %c0_i32, %c0_i32_0 : i32, i32
  }
  func.func @transform_3(%arg0: i32) -> (i32, i32) {
    %c0_i32 = arith.constant 0 : i32
    %c0_i32_0 = arith.constant 0 : i32
    %c0_i32_1 = arith.constant 0 : i32
    return %c0_i32, %c0_i32_0 : i32, i32
  }
  func.func @transform_4(%arg0: i32) -> (i32, i32) {
    %c0_i32 = arith.constant 0 : i32
    %c0_i32_0 = arith.constant 0 : i32
    return %arg0, %c0_i32 : i32, i32
  }
}

</mosaic_0001>

<sc_bundles>
// kernel: kernel.10.cloned.1.call-start
scs
__scs_entry_jumppad:
0x0: {  	(pc) =	sbr.rel $0x88, $3  }
0x1: {  	(tag) =	ssettag $0x0;
	lr =	simm.s32 $0x1  }
0x2: {  	[smem:$0x3F96] =	sst lr;
	_ =	strace $0xD0000000  }
0x3: {  	_ = 	snop  }
0x4: {  	_ = 	snop  }
0x5: {  	_ = 	snop  }
0x6: {  	_ = 	snop  }
0x7: {  	_ = 	snop  }
__scs_overlays_trampoline_lowered:
0x8: {  	[smem:$0x3FA5] =	sst s0  }
0x9: {  	[smem:$0x3FA6] =	sst s1  }
0xa: {  	[smem:$0x3FA7] =	sst s2  }
0xb: {  	[smem:$0x3FA8] =	sst s3  }
0xc: {  	[smem:$0x3FA9] =	sst s4  }
0xd: {  	[smem:$0x3FAA] =	sst s5  }
0xe: {  	[smem:$0x3FAB] =	sst s6  }
0xf: {  	[smem:$0x3FAC] =	sst s7  }
0x10: {  	[smem:$0x3FAD] =	sst s8  }
0x11: {  	[smem:$0x3FAE] =	sst s9;
	s0 =	simm.s32 @!p0 $0x0  }
0x12: {  	s1 =	sld [smem:$0x3F94];
	s0 =	simm.s32 @p0 $0x1  }
0x13: {  	[smem:$0x3FAF] =	sst s0;
	s0 =	simm.s32 @!p1 $0x0  }
0x14: {  	s2 =	sld [smem:$0x3F93];
	s0 =	simm.s32 @p1 $0x1  }
0x15: {  	[smem:$0x3FB0] =	sst s0;
	s0 =	simm.s32 @!p2 $0x0  }
0x16: {  	s3 =	sld [smem:$0x3FDB];
	s0 =	simm.s32 @p2 $0x1  }
0x17: {  	s4 =	simm.s32 $0x1BF5;
	[smem:$0x3FB2] =	sst s0  }
0x18: {  	s0 =	sld [smem:$0x3F95];
	_ =	swait.ge [sflag:s4], $0x0  }
0x19: {  	s7 =	sld [smem:$0x3F96]  }
0x1a: {  	s8 =	sadd.s32 $0xFFFFE003, lr  }
0x1b: {  	s9 =	sadd.s32 $0xFFFFFEF7, lr;
	s5 =	simm.s32 $0xFFFFFFFF;
	p2 =	slt.u32 s8, $0xFFFFF086  }
0x1c: {  	p1 =	slt.u32 s9, $0xF7A;
	s5 =	simm.s32 @!p2 $0x0  }
0x1d: {  	s5 =	simm.s32 @p1 $0x1;
	p0 =	seq.s32 s7, s2  }
0x1e: {  	s7 =	smul.u32 @!p0 $0xF7A, s2;
	p2 =	seq.s32 @!p0 s5, $0x0  }
0x1f: {  	s9 =	smul.u32 $0xF7A, s1;
	s8 =	simm.s32 @!p0 $0x1BF5;
	p2 =	por !p2, p0  }
0x20: {  	[sflag:s8] =	ssyncset.s32 @!p0 $0xFFFFF086;
	s6 =	sadd.s32 @!p0 s3, s7;
	s7 =	simm.s32 @!p0 $0x108  }
0x21: {  	s3 =	sadd.s32 s3, s9;
	s6 =	sadd.s32 @!p0 $0x88, s6;
	s7 =	simm.s32 @p2 $0x1082  }
0x22: {  	[simem:s7], [sflag:s8] =	dma.local @!p0 [hbm:s6], $0xF7A  }
0x23: {  	s9 =	sor.u32 $0xD0000000, s2;
	s6 =	simm.s32 $0x108;
	_ =	swait.ge @!p0 [sflag:s8], $0x0  }
0x24: {  	s3 =	sadd.s32 $0x88, s3;
	s6 =	simm.s32 @!p1 $0x1082;
	[sflag:s4] =	ssyncset.s32 $0xFFFFF086  }
0x25: {  	[simem:s6], [sflag:s4] =	dma.local [hbm:s3], $0xF7A  }
0x26: {  	[smem:$0x3F96] =	sst s1;
	(tag) =	ssettag s2;
	_ =	strace s9  }
0x27: {  	s1 =	sld [smem:$0x3FA6]  }
0x28: {  	s2 =	sld [smem:$0x3FA7]  }
0x29: {  	s4 =	sld [smem:$0x3FA9]  }
0x2a: {  	p0 =	seq.s32 s5, $0x0;
	s5 =	sld [smem:$0x3FAA]  }
0x2b: {  	s6 =	sld [smem:$0x3FAB]  }
0x2c: {  	s7 =	sld [smem:$0x3FAC]  }
0x2d: {  	s3 =	simm.s32 $0x108;
	s8 =	sld [smem:$0x3FAD]  }
0x2e: {  	s3 =	simm.s32 @!p0 $0x1082;
	s9 =	sld [smem:$0x3FAE]  }
0x2f: {  	lr =	sadd.s32 s0, s3;
	s0 =	sld [smem:$0x3FA5]  }
0x30: {  	s3 =	sld [smem:$0x3FA8]  }
0x31: {  	[smem:$0x3FB1] =	sst s10  }
0x32: {  	s10 =	sld [smem:$0x3FAF];
	_ =	sdelay $0x3  }
0x33: {  	p0 =	seq.s32 s10, $0x1;
	s10 =	sld [smem:$0x3FB1];
	_ =	sdelay $0x3  }
0x34: {  	[smem:$0x3FB1] =	sst s10  }
0x35: {  	s10 =	sld [smem:$0x3FB0];
	_ =	sdelay $0x3  }
0x36: {  	p1 =	seq.s32 s10, $0x1;
	s10 =	sld [smem:$0x3FB1];
	_ =	sdelay $0x3  }
0x37: {  	[smem:$0x3FB1] =	sst s10  }
0x38: {  	s10 =	sld [smem:$0x3FB2]  }
0x39: {  	_ = 	snop;
	(pc) =	sbr.ind lr, $3  }
0x3a: {  	_ = 	snop  }
0x3b: {  	_ = 	snop  }
0x3c: {  	p2 =	seq.s32 s10, $0x1;
	s10 =	sld [smem:$0x3FB1]  }
0x3d: {  	_ =	shalt  }
0x3e: {  	_ =	shalt  }
0x3f: {  	_ =	shalt  }
0x40: {  	_ =	shalt  }
0x41: {  	_ =	shalt  }
0x42: {  	_ =	shalt  }
0x43: {  	_ =	shalt  }
0x44: {  	_ =	shalt  }
0x45: {  	_ =	shalt  }
0x46: {  	_ =	shalt  }
0x47: {  	_ =	shalt  }
0x48: {  	_ =	shalt  }
0x49: {  	_ =	shalt  }
0x4a: {  	_ =	shalt  }
0x4b: {  	_ =	shalt  }
0x4c: {  	_ =	shalt  }
0x4d: {  	_ =	shalt  }
0x4e: {  	_ =	shalt  }
0x4f: {  	_ =	shalt  }
0x50: {  	_ =	shalt  }
0x51: {  	_ =	shalt  }
0x52: {  	_ =	shalt  }
0x53: {  	_ =	shalt  }
0x54: {  	_ =	shalt  }
0x55: {  	_ =	shalt  }
0x56: {  	_ =	shalt  }
0x57: {  	_ =	shalt  }
0x58: {  	_ =	shalt  }
0x59: {  	_ =	shalt  }
0x5a: {  	_ =	shalt  }
0x5b: {  	_ =	shalt  }
0x5c: {  	_ =	shalt  }
0x5d: {  	_ =	shalt  }
0x5e: {  	_ =	shalt  }
0x5f: {  	_ =	shalt  }
0x60: {  	_ =	shalt  }
0x61: {  	_ =	shalt  }
0x62: {  	_ =	shalt  }
0x63: {  	_ =	shalt  }
0x64: {  	_ =	shalt  }
0x65: {  	_ =	shalt  }
0x66: {  	_ =	shalt  }
0x67: {  	_ =	shalt  }
0x68: {  	_ =	shalt  }
0x69: {  	_ =	shalt  }
0x6a: {  	_ =	shalt  }
0x6b: {  	_ =	shalt  }
0x6c: {  	_ =	shalt  }
0x6d: {  	_ =	shalt  }
0x6e: {  	_ =	shalt  }
0x6f: {  	_ =	shalt  }
0x70: {  	_ =	shalt  }
0x71: {  	_ =	shalt  }
0x72: {  	_ =	shalt  }
0x73: {  	_ =	shalt  }
0x74: {  	_ =	shalt  }
0x75: {  	_ =	shalt  }
0x76: {  	_ =	shalt  }
0x77: {  	_ =	shalt  }
0x78: {  	_ =	shalt  }
0x79: {  	_ =	shalt  }
0x7a: {  	_ =	shalt  }
0x7b: {  	_ =	shalt  }
0x7c: {  	_ =	shalt  }
0x7d: {  	_ =	shalt  }
0x7e: {  	_ =	shalt  }
0x7f: {  	_ =	shalt  }
0x80: {  	_ =	shalt  }
0x81: {  	_ =	shalt  }
0x82: {  	_ =	shalt  }
0x83: {  	_ =	shalt  }
0x84: {  	_ =	shalt  }
0x85: {  	_ =	shalt  }
0x86: {  	_ =	shalt  }
0x87: {  	_ =	shalt  }
.Lfunc_end0:
.L_simem_size_0:
called_computation_lowered:
.L_overlay_start_0:
0x88: {  	s2 =	sld [smem:$0x3FD9]  }
0x89: {  	s3 =	sld [smem:$0x3FFE];
	_ =	sdelay $0x1  }
0x8a: {  	s1 =	srdreg.scid  }
0x8b: {  	s0 =	sand.u32 $0x1, s1  }
0x8c: {  	s14 =	sshll.u32 s0, $0xA;
	s2 =	sadd.s32 s3, s2  }
0x8d: {  	s2 =	sadd.s32 s2, s14  }
0x8e: {  	[smem:$0x3FBD] =	sst s2  }
0x8f: {  	_ = 	snop  }
0x90: {  	s2 =	sld [smem:$0x3FD0];
	_ =	sdelay $0x2  }
0x91: {  	s4 =	simm.s32 $0xA;
	s5 =	simm.s32 $0x10;
	s15 =	sld [smem:$0x3FC6]  }
0x92: {  	[smem:s5], [sflag:s4] =	dma.local [hbm:s2], $0x1  }
0x93: {  	_ =	swait.eq [sflag:s4], $0x1  }
0x94: {  	[sflag:s4] =	ssyncset.done $0x0  }
0x95: {  	s16 =	sld [smem:$0x10];
	[sflag:s4] =	ssyncadd.s32 $0xFFFFFFFF  }
0x96: {  	s17 =	sld [smem:$0x11];
	(tm) =	ssettm $0x1  }
0x97: {  	s18 =	sld [smem:$0x3FFB];
	_ =	sdelay $0x3  }
0x98: {  	_ =	strace s18  }
0x99: {  	s5 =	sld [smem:$0x3FFC];
	_ =	sdelay $0x3  }
0x9a: {  	_ =	strace s5  }
0x9b: {  	s5 =	sld [smem:$0x3FFD];
	_ =	sdelay $0x3  }
0x9c: {  	_ =	strace s5  }
0x9d: {  	_ =	strace $0x8FFFFFFF  }
0x9e: {  	s19 =	sld [smem:$0x3FDB];
	_ =	sdelay $0x1  }
0x9f: {  	s6 =	simm.s32 $_scs_section_size  }
0xa0: {  	s7 =	simm.s32 $_size__tile_overlayer_lowered;
	s8 =	simm.s32 $_tile_overlayer_lowered  }
0xa1: {  	s22 =	simm.s32 $0x1BFF;
	s21 =	sshll.u32 s8, $0x1;
	s5 =	sadd.s32 s6, s19  }
0xa2: {  	s9 =	simm.s32 $0x0;
	s20 =	sshll.u32 s7, $0x1;
	s7 =	sadd.s32 s21, s5  }
0xa3: {  	[timem:s9], [sflag:s22] =	dma.local [hbm:s7], s20  }
0xa4: {  	_ =	swait.ge [sflag:s22], s20  }
0xa5: {  	s6 =	ssub.s32 $0x0, s20;
	[sflag:s22] =	ssyncset.done $0x0  }
0xa6: {  	[sflag:s22] =	ssyncadd.s32 s6;
	_ =	sdelay $0x1  }
0xa7: {  	s23 =	simm.s32 $0x1B8B  }
0xa8: {  	_ =	swait.ge [sflag:s23], $0x1  }
0xa9: {  	[sflag:s23] =	ssyncset.done $0x0  }
0xaa: {  	s25 =	simm.s32 $0x1B8E;
	s24 =	sld [smem:$0x3FFE];
	[sflag:s23] =	ssyncadd.s32 $0xFFFFFFFF  }
0xab: {  	s26 =	simm.s32 $execute0_lowered;
	[smem:$0x3FD2] =	sst s25  }
0xac: {  	s7 =	sshll.u32 s26, $0x1;
	_ =	strace $0x80000046;
	[dreg:$0x1] =	wrdreg $0xFFFFFFFF  }
0xad: {  	s28 =	simm.s32 $_size_execute0_lowered;
	s5 =	sadd.s32 s5, s7;
	[dreg:$0x0] =	wrdreg $0x0  }
0xae: {  	s7 =	sshll.u32 s28, $0x1;
	[dreg:$0x2] =	wrdreg s5  }
0xaf: {  	[dreg:$0x3] =	wrdreg s7  }
0xb0: {  	[dreg:$0x4] =	wrdreg $0xC0  }
0xb1: {  	_ =	task [dreg:s9], $0x5FFFF  }
0xb2: {  	[dreg:$0x1] =	wrdreg $0xFFFFFFFF  }
0xb3: {  	[dreg:$0x0] =	wrdreg $0x60  }
0xb4: {  	[dreg:$0x2] =	wrdreg s17  }
0xb5: {  	[dreg:$0x3] =	wrdreg s24  }
0xb6: {  	[dreg:$0x4] =	wrdreg s15  }
0xb7: {  	[dreg:$0x5] =	wrdreg s16  }
0xb8: {  	[dreg:$0x6] =	wrdreg $0x9  }
0xb9: {  	_ =	task.clear_ibuf [dreg:s9], $0x7FFFF;
	_ =	strace $0x90000046  }
0xba: {  	s29 =	simm.s32 $0x9;
	_ =	strace $0x80000048  }
0xbb: {  	_ =	swait.ge [sflag:s29], $0x1  }
0xbc: {  	[sflag:s29] =	ssyncadd.s32 $0xFFFFFFFF  }
0xbd: {  	_ =	strace $0x90000048  }
0xbe: {  	_ =	sfence  }
0xbf: {  	s30 =	sld [smem:$0x0];
	_ =	sdelay $0x2  }
0xc0: {  	s31 =	sshll.u32 s1, $0xD;
	s1 =	sshrl.u32 s1, $0x2  }
0xc1: {  	s3 =	sand.u32 $0x4000, s31;
	s1 =	sadd.s32 s1, s30  }
0xc2: {  	s0 =	sor.u32 s3, s0;
	s1 =	sshll.u32 s1, $0x11  }
0xc3: {  	s0 =	sor.u32 s1, s0  }
0xc4: {  	s0 =	sadd.s32 $0x8F2B, s0  }
0xc5: {  	[sflag:s0] =	ssyncadd.remote.s32 $0x1  }
0xc6: {  	_ =	sfence.sel $0xFFFF  }
0xc7: {  	[dreg:$0x0] =	wrdreg $0xFFFFFFFF;
	(pc) =	sbr.abs _section_cstart, $3  }
0xc8: {  	[dreg:$0x1] =	wrdreg $0xFFFFFFFF  }
0xc9: {  	_ =	task.clear_ibuf [dreg:s9], $0x2FFFF;
	_ =	strace $0x9FFFFFFF  }
0xca: {  	(tm) =	ssettm $0x7FFFFFFF  }
0xcb: {  	_ =	shalt  }
tec
execute0_lowered:
.L_overlay_start_1:
0x0: {  	(tag) =	ssettag $0x1  }
0x1: {  	s5 =	rddreg [dreg:$0x0]  }
0x2: {  	s4 =	rddreg [dreg:$0x1]  }
0x3: {  	s2 =	rddreg [dreg:$0x2]  }
0x4: {  	s6 =	rddreg [dreg:$0x3]  }
0x5: {  	s3 =	srdreg.scid;
	s1 =	stileid.u32  }
0x6: {  	s0 =	rddreg [dreg:$0x4];
	s10 =	simm.s32 $0x1;
	s11 =	simm.s32 $0x17800  }
0x7: {  	s12 =	simm.s32 $0x19780;
	s13 =	simm.s32 $0x2;
	s14 =	simm.s32 $0x3  }
0x8: {  	s15 =	simm.s32 $0x9C80;
	s16 =	simm.s32 $0x4;
	s17 =	simm.s32 $0x5  }
0x9: {  	s18 =	simm.s32 $0x6;
	s7 =	sand.u32 $0x1, s3;
	s8 =	sshll.u32 s1, $0x1  }
0xa: {  	s3 =	simm.s32 $0x0;
	s9 =	ssub.s32 $0x2, s7;
	s7 =	sor.u32 s7, s8  }
0xb: {  	s19 =	simm.s32 $0x0;
	[smem:$0x7FF] =	sst s3;
	s7 =	smul.u32 $0x1388, s7  }
0xc: {  	s4 =	sadd.s32 $0x1600, s4;
	s31 =	sshrl.u32 s9, $0x1;
	_ =	strace $0x80000047  }
0xd: {  	s8 =	ssub.s32 s9, s31;
	s9 =	simm.s32 $0x15880;
	s5 =	sadd.s32 s5, s7  }
0xe: {  	v0 =	vimm.f32 $0.0e+00;
	s6 =	sadd.s32 s6, s7;
	s7 =	smax.u32 s8, $0x1;
	s8 =	simm.s32 $0x13900  }
.LBB2_1:
0xf: {  	[tilespmem:s3], [sflag:$0x1] =	stream.linear.gather [hbm4b:s5+s3], $0x9C40, $0x38;
	[tilespmem:$0x1B700] =	vst v63  }
0x10: {  	_ = 	snop  }
0x11: {  	[tilespmem:s8], [sflag:$0x2] =	stream.linear.gather [hbm4b:s4+s3], $0x1F40, $0x38;
	[tilespmem:$0x1B700] =	vst v63  }
0x12: {  	s20 =	simm.s32 $0x9CD0  }
0x13: {  	[tilespmem:s9], [sflag:$0x3] =	stream.linear.gather [hbm4b:s2+s3], $0x1F40, $0x38;
	[tilespmem:$0x1B700] =	vst v63  }
0x14: {  	[tilespmem:s20+$0xFFFFFFC0] =	vst v0  }
0x15: {  	[tilespmem:s20+$0xFFFFFFD0] =	vst v0  }
0x16: {  	[tilespmem:s20+$0xFFFFFFE0] =	vst v0  }
0x17: {  	[tilespmem:s20+$0xFFFFFFF0] =	vst v0  }
0x18: {  	[tilespmem:s20+$0x0] =	vst v0  }
0x19: {  	[tilespmem:s20+$0x10] =	vst v0  }
0x1a: {  	[tilespmem:s20+$0x20] =	vst v0  }
0x1b: {  	[tilespmem:s20+$0x40] =	vst v0  }
0x1c: {  	s21 =	sand.u32 $0xFFE0, s3;
	[tilespmem:s20+$0xFFFFFFB0] =	vst v0  }
0x1d: {  	s22 =	simm.s32 $0x0;
	s20 =	simm.s32 $0x0;
	[tilespmem:s21+$0x9D00] =	vst v0;
	s21 =	simm.s32 $0x9D70  }
.LBB2_2:
0x1e: {  	[tilespmem:s21+$0xFFFFFFC0] =	vst v0  }
0x1f: {  	[tilespmem:s21+$0xFFFFFFD0] =	vst v0  }
0x20: {  	[tilespmem:s21+$0xFFFFFFE0] =	vst v0  }
0x21: {  	s20 =	sadd.s32 $0xA, s20;
	[tilespmem:s21+$0xFFFFFFF0] =	vst v0  }
0x22: {  	p0 =	slt.u32 s20, $0x9BA;
	[tilespmem:s21+$0x0] =	vst v0  }
.Ltmp0:
0x23: {  	[tilespmem:s21+$0x10] =	vst v0;
	(pc) =	sbr.rel @p0 .LBB2_2-.Ltmp0, $4  }
0x24: {  	[tilespmem:s21+$0x20] =	vst v0  }
0x25: {  	s22 =	sadd.s32 $0xA0, s22;
	[tilespmem:s21+$0x40] =	vst v0  }
0x26: {  	s23 =	sand.u32 $0xFFE0, s22;
	[tilespmem:s21+$0xFFFFFFB0] =	vst v0  }
0x27: {  	s21 =	sadd.s32 $0xA0, s21;
	[tilespmem:s23+$0x9D00] =	vst v0  }
0x28: {  	_ =	swait.ge [sflag:s10], $0x9C40  }
0x29: {  	[sflag:s10] =	ssyncset.done $0x0  }
0x2a: {  	s20 =	simm.s32 $0x0;
	[sflag:s10] =	ssyncadd.s32 $0xFFFF63C0  }
.LBB2_4:
0x2b: {  	s21 =	smul.u32 $0x3E80, s20;
	_ =	sdelay $0x1  }
0x2c: {  	s22 =	sshrl.u32 s21, $0x3  }
0x2d: {  	s22 =	sadd.s32 $0x3E8, s22  }
0x2e: {  	s23 =	sadd.s32 s4, s22  }
0x2f: {  	[tilespmem:s11], [sflag:$0x4] =	stream.linear.gather [hbm4b:s23+s3], $0x1F40, $0x38;
	[tilespmem:$0x1B700] =	vst v63  }
0x30: {  	s22 =	sadd.s32 s2, s22  }
0x31: {  	[tilespmem:s12], [sflag:$0x5] =	stream.linear.gather [hbm4b:s22+s3], $0x1F40, $0x38;
	[tilespmem:$0x1B700] =	vst v63  }
0x32: {  	_ =	swait.ge [sflag:s13], $0x1F40  }
0x33: {  	[sflag:s13] =	ssyncset.done $0x0  }
0x34: {  	[sflag:s13] =	ssyncadd.s32 $0xFFFFE0C0  }
0x35: {  	_ =	swait.ge [sflag:s14], $0x1F40  }
0x36: {  	[sflag:s14] =	ssyncset.done $0x0  }
0x37: {  	s31 =	simm.s32 $0x13920;
	[sflag:s14] =	ssyncadd.s32 $0xFFFFE0C0  }
0x38: {  	v1 =	vld [tilespmem:s31+$0x10];
	_ =	sdelay $0x1  }
0x39: {  	v5 =	vld [tilespmem:s31+$0xFFFFFFE0]  }
0x3a: {  	v3 =	vld [tilespmem:s31+$0xFFFFFFF0]  }
0x3b: {  	v8 =	vld [tilespmem:s31+$0x0]  }
0x3c: {  	v6 =	vand.u32 $0xFFFF, v1  }
0x3d: {  	s22 =	simm.s32 $0x158A0  }
0x3e: {  	v4 =	vld [tilespmem:s22+$0x10];
	v9 =	vand.u32 $0xFFFF, v5  }
0x3f: {  	v2 =	vld [tilespmem:s22+$0xFFFFFFE0];
	v7 =	vand.u32 $0xFFFF, v3  }
0x40: {  	v10 =	vshrl.u32 v1, $0x10;
	v18 =	vand.u32 $0xFFFF, v8;
	v1 =	vld [tilespmem:s22+$0xFFFFFFF0]  }
0x41: {  	v11 =	vld.idx.msk [tilespmem:v6+s3+$0x0], $0xffff  }
0x42: {  	v19 =	vshrl.u32 v3, $0x10;
	v3 =	vld [tilespmem:s22+$0x0]  }
0x43: {  	v13 =	vld.idx.msk [tilespmem:v9+s3+$0x0], $0xffff  }
0x44: {  	v14 =	vadd.s32 $0x2710, v6;
	v12 =	vld.idx.msk [tilespmem:v7+s3+$0x0], $0xffff  }
0x45: {  	v5 =	vshrl.u32 v5, $0x10;
	v16 =	vld.idx.msk [tilespmem:v18+s3+$0x0], $0xffff  }
0x46: {  	v11 =	vmul.f32 v11, v4  }
0x47: {  	v20 =	vshrl.u32 v8, $0x10  }
0x48: {  	v8 =	vadd.s32 $0x2710, v18;
	v13 =	vmul.f32 v13, v2;
	[tilespmem:v10+s15+$0x0] =	vst.idx.add.f32.msk $0xffff, v11  }
0x49: {  	v12 =	vmul.f32 v12, v1;
	v11 =	vadd.s32 $0x2710, v9;
	v14 =	vld.idx.msk [tilespmem:v14+s3+$0x0], $0xffff  }
0x4a: {  	v15 =	vadd.s32 $0x2710, v7;
	v16 =	vmul.f32 v16, v3;
	[tilespmem:v5+s15+$0x0] =	vst.idx.add.f32.msk $0xffff, v13  }
0x4b: {  	v17 =	vadd.s32 $0x2710, v10;
	[tilespmem:v19+s15+$0x0] =	vst.idx.add.f32.msk $0xffff, v12  }
0x4c: {  	v13 =	vadd.s32 $0x4E20, v6;
	[tilespmem:v20+s15+$0x0] =	vst.idx.add.f32.msk $0xffff, v16  }
0x4d: {  	v8 =	vld.idx.msk [tilespmem:v8+s3+$0x0], $0xffff  }
0x4e: {  	v11 =	vld.idx.msk [tilespmem:v11+s3+$0x0], $0xffff;
	v12 =	vmul.f32 v14, v4  }
0x4f: {  	v21 =	vadd.s32 $0x2710, v20;
	v14 =	vld.idx.msk [tilespmem:v15+s3+$0x0], $0xffff  }
0x50: {  	v15 =	vadd.s32 $0x2710, v5;
	[tilespmem:v17+s15+$0x0] =	vst.idx.add.f32.msk $0xffff, v12  }
0x51: {  	v12 =	vadd.s32 $0x2710, v19;
	v13 =	vld.idx.msk [tilespmem:v13+s3+$0x0], $0xffff  }
0x52: {  	v23 =	vmul.f32 v8, v3;
	v17 =	vadd.s32 $0x4E20, v9  }
0x53: {  	v16 =	vadd.s32 $0x4E20, v10;
	v11 =	vmul.f32 v11, v2  }
0x54: {  	v6 =	vadd.s32 $0x7530, v6;
	[tilespmem:v21+s15+$0x0] =	vst.idx.add.f32.msk $0xffff, v23;
	v14 =	vmul.f32 v14, v1  }
0x55: {  	v22 =	vadd.s32 $0x4E20, v7;
	[tilespmem:v15+s15+$0x0] =	vst.idx.add.f32.msk $0xffff, v11  }
0x56: {  	[tilespmem:v12+s15+$0x0] =	vst.idx.add.f32.msk $0xffff, v14;
	v11 =	vmul.f32 v13, v4  }
0x57: {  	v8 =	vadd.s32 $0x4E20, v20;
	v17 =	vld.idx.msk [tilespmem:v17+s3+$0x0], $0xffff  }
0x58: {  	v15 =	vadd.s32 $0x4E20, v18;
	v12 =	vadd.s32 $0x4E20, v5;
	v14 =	vadd.s32 $0x4E20, v19;
	[tilespmem:v16+s15+$0x0] =	vst.idx.add.f32.msk $0xffff, v11  }
0x59: {  	v13 =	vadd.s32 $0x7530, v7;
	v7 =	vadd.s32 $0x7530, v5;
	v5 =	vadd.s32 $0x7530, v20;
	v16 =	vld.idx.msk [tilespmem:v6+s3+$0x0], $0xffff  }
0x5a: {  	s24 =	simm.s32 $0x13960;
	s23 =	simm.s32 $0x0;
	v11 =	vadd.s32 $0x7530, v9;
	v9 =	vadd.s32 $0x7530, v18;
	v18 =	vld.idx.msk [tilespmem:v22+s3+$0x0], $0xffff;
	v6 =	vadd.s32 $0x7530, v19  }
.LBB2_5:
0x5b: {  	v19 =	vld [tilespmem:s24+$0x10];
	s23 =	sadd.s32 $0x4, s23;
	v10 =	vadd.s32 $0x7530, v10  }
0x5c: {  	v17 =	vmul.f32 v17, v2;
	v20 =	vld [tilespmem:s24+$0xFFFFFFF0];
	p0 =	slt.u32 s23, $0x1F0  }
0x5d: {  	v21 =	vld [tilespmem:s24+$0x0]  }
0x5e: {  	v4 =	vmul.f32 v16, v4;
	v22 =	vld [tilespmem:s24+$0xFFFFFFE0]  }
0x5f: {  	v16 =	vld.idx.msk [tilespmem:v15+s3+$0x0], $0xffff  }
0x60: {  	v15 =	vmul.f32 v18, v1;
	v23 =	vand.u32 $0xFFFF, v19;
	[tilespmem:v10+s15+$0x0] =	vst.idx.add.f32.msk $0xffff, v4  }
0x61: {  	v18 =	vshrl.u32 v20, $0x10;
	v10 =	vand.u32 $0xFFFF, v20;
	[tilespmem:v12+s15+$0x0] =	vst.idx.add.f32.msk $0xffff, v17  }
0x62: {  	v17 =	vadd.s32 $0x2710, v10;
	v20 =	vshrl.u32 v21, $0x10;
	v21 =	vand.u32 $0xFFFF, v21;
	[tilespmem:v14+s15+$0x0] =	vst.idx.add.f32.msk $0xffff, v15  }
0x63: {  	v24 =	vshrl.u32 v22, $0x10;
	v22 =	vand.u32 $0xFFFF, v22;
	v25 =	vadd.s32 $0x2710, v21;
	v26 =	vld.idx.msk [tilespmem:v11+s3+$0x0], $0xffff  }
0x64: {  	v29 =	vadd.s32 $0x2710, v18;
	v27 =	vadd.s32 $0x2710, v22;
	v28 =	vadd.s32 $0x2710, v24;
	v30 =	vld.idx.msk [tilespmem:v13+s3+$0x0], $0xffff  }
0x65: {  	s22 =	sadd.s32 $0x40, s22;
	v32 =	vadd.s32 $0x4E20, v10;
	v33 =	vadd.s32 $0x2710, v20;
	v31 =	vadd.s32 $0x4E20, v22;
	v34 =	vld.idx.msk [tilespmem:v23+s3+$0x0], $0xffff  }
0x66: {  	v15 =	vadd.s32 $0x4E20, v21;
	v12 =	vadd.s32 $0x4E20, v24;
	v16 =	vmul.f32 v16, v3;
	v4 =	vld [tilespmem:s22+$0x10]  }
0x67: {  	v14 =	vadd.s32 $0x4E20, v18;
	v36 =	vadd.s32 $0x4E20, v20;
	v11 =	vadd.s32 $0x7530, v22;
	v35 =	vld.idx.msk [tilespmem:v10+s3+$0x0], $0xffff  }
0x68: {  	v37 =	vadd.s32 $0x7530, v21;
	v13 =	vadd.s32 $0x7530, v10;
	v10 =	vshrl.u32 v19, $0x10;
	v22 =	vld.idx.msk [tilespmem:v22+s3+$0x0], $0xffff  }
0x69: {  	v38 =	vadd.s32 $0x2710, v23;
	v19 =	vadd.s32 $0x7530, v24;
	v26 =	vmul.f32 v26, v2;
	v21 =	vld.idx.msk [tilespmem:v21+s3+$0x0], $0xffff  }
0x6a: {  	v39 =	vadd.s32 $0x7530, v18;
	v40 =	vadd.s32 $0x7530, v20;
	v30 =	vmul.f32 v30, v1;
	v2 =	vld [tilespmem:s22+$0xFFFFFFE0]  }
0x6b: {  	v1 =	vld [tilespmem:s22+$0xFFFFFFF0];
	v34 =	vmul.f32 v34, v4  }
0x6c: {  	v41 =	vld [tilespmem:s22+$0x0]  }
0x6d: {  	[tilespmem:v10+s15+$0x0] =	vst.idx.add.f32.msk $0xffff, v34  }
0x6e: {  	v34 =	vld.idx.msk [tilespmem:v38+s3+$0x0], $0xffff  }
0x6f: {  	v22 =	vmul.f32 v22, v2;
	[tilespmem:v8+s15+$0x0] =	vst.idx.add.f32.msk $0xffff, v16;
	v8 =	vmov v36  }
0x70: {  	v16 =	vmul.f32 v35, v1;
	v35 =	vld.idx.msk [tilespmem:v9+s3+$0x0], $0xffff;
	v9 =	vmov v37  }
0x71: {  	[tilespmem:v24+s15+$0x0] =	vst.idx.add.f32.msk $0xffff, v22;
	v21 =	vmul.f32 v21, v41;
	v22 =	vadd.s32 $0x2710, v10  }
0x72: {  	[tilespmem:v18+s15+$0x0] =	vst.idx.add.f32.msk $0xffff, v16;
	v16 =	vadd.s32 $0x4E20, v23  }
0x73: {  	[tilespmem:v20+s15+$0x0] =	vst.idx.add.f32.msk $0xffff, v21  }
0x74: {  	v20 =	vmul.f32 v34, v4;
	v18 =	vld.idx.msk [tilespmem:v27+s3+$0x0], $0xffff  }
0x75: {  	v17 =	vld.idx.msk [tilespmem:v17+s3+$0x0], $0xffff  }
0x76: {  	[tilespmem:v22+s15+$0x0] =	vst.idx.add.f32.msk $0xffff, v20;
	v20 =	vmul.f32 v35, v3;
	v3 =	vmov v41  }
0x77: {  	v16 =	vld.idx.msk [tilespmem:v16+s3+$0x0], $0xffff  }
0x78: {  	v21 =	vld.idx.msk [tilespmem:v25+s3+$0x0], $0xffff  }
0x79: {  	[tilespmem:v7+s15+$0x0] =	vst.idx.add.f32.msk $0xffff, v26;
	v7 =	vmov v19  }
0x7a: {  	v18 =	vmul.f32 v18, v2;
	v19 =	vadd.s32 $0x4E20, v10;
	[tilespmem:v6+s15+$0x0] =	vst.idx.add.f32.msk $0xffff, v30;
	v6 =	vmov v39  }
0x7b: {  	v22 =	vadd.s32 $0x7530, v23;
	v17 =	vmul.f32 v17, v1;
	[tilespmem:v5+s15+$0x0] =	vst.idx.add.f32.msk $0xffff, v20;
	v5 =	vmov v40  }
0x7c: {  	[tilespmem:v28+s15+$0x0] =	vst.idx.add.f32.msk $0xffff, v18  }
0x7d: {  	v16 =	vmul.f32 v16, v4;
	[tilespmem:v29+s15+$0x0] =	vst.idx.add.f32.msk $0xffff, v17  }
.Ltmp1:
0x7e: {  	v18 =	vmul.f32 v21, v3;
	v17 =	vld.idx.msk [tilespmem:v31+s3+$0x0], $0xffff;
	(pc) =	sbr.rel @p0 .LBB2_5-.Ltmp1, $4  }
0x7f: {  	[tilespmem:v19+s15+$0x0] =	vst.idx.add.f32.msk $0xffff, v16  }
0x80: {  	v16 =	vld.idx.msk [tilespmem:v22+s3+$0x0], $0xffff  }
0x81: {  	[tilespmem:v33+s15+$0x0] =	vst.idx.add.f32.msk $0xffff, v18  }
0x82: {  	s24 =	sadd.s32 $0x40, s24;
	v18 =	vld.idx.msk [tilespmem:v32+s3+$0x0], $0xffff  }
0x83: {  	_ =	sdelay $0x3  }
0x84: {  	v15 =	vld.idx.msk [tilespmem:v15+s3+$0x0], $0xffff  }
0x85: {  	v17 =	vmul.f32 v17, v2;
	_ =	sdelay $0x1  }
0x86: {  	[tilespmem:v12+s15+$0x0] =	vst.idx.add.f32.msk $0xffff, v17;
	v18 =	vmul.f32 v18, v1  }
0x87: {  	v11 =	vld.idx.msk [tilespmem:v11+s3+$0x0], $0xffff  }
0x88: {  	v12 =	vmul.f32 v15, v3;
	[tilespmem:v14+s15+$0x0] =	vst.idx.add.f32.msk $0xffff, v18  }
0x89: {  	v13 =	vld.idx.msk [tilespmem:v13+s3+$0x0], $0xffff  }
0x8a: {  	v10 =	vadd.s32 $0x7530, v10;
	[tilespmem:v8+s15+$0x0] =	vst.idx.add.f32.msk $0xffff, v12  }
0x8b: {  	v8 =	vld.idx.msk [tilespmem:v9+s3+$0x0], $0xffff;
	_ =	sdelay $0x1  }
0x8c: {  	v4 =	vmul.f32 v16, v4  }
0x8d: {  	v2 =	vmul.f32 v11, v2  }
0x8e: {  	p0 =	seq.s32 s20, $0x13;
	[tilespmem:v10+s15+$0x0] =	vst.idx.add.f32.msk $0xffff, v4;
	v1 =	vmul.f32 v13, v1  }
0x8f: {  	s21 =	sshrl.u32 @!p0 s21, $0x3;
	[tilespmem:v7+s15+$0x0] =	vst.idx.add.f32.msk $0xffff, v2;
	v3 =	vmul.f32 v8, v3  }
0x90: {  	s21 =	sadd.s32 @!p0 $0x7D0, s21;
	[tilespmem:v6+s15+$0x0] =	vst.idx.add.f32.msk $0xffff, v1  }
0x91: {  	s23 =	simm.s32 @!p0 $0x0;
	s24 =	simm.s32 @!p0 $0x13900;
	s22 =	sadd.s32 @!p0 s4, s21;
	[tilespmem:v5+s15+$0x0] =	vst.idx.add.f32.msk $0xffff, v3  }
0x92: {  	[tilespmem:s24], [sflag:$0x2] =	stream.linear.gather @!p0 [hbm4b:s22+s23], $0x1F40, $0x38;
	[tilespmem:$0x1B700] =	vst v63  }
0x93: {  	s21 =	sadd.s32 @!p0 s2, s21;
	s22 =	simm.s32 @!p0 $0x15880  }
0x94: {  	[tilespmem:s22], [sflag:$0x3] =	stream.linear.gather @!p0 [hbm4b:s21+s23], $0x1F40, $0x38;
	[tilespmem:$0x1B700] =	vst v63  }
0x95: {  	_ =	swait.ge [sflag:s16], $0x1F40  }
0x96: {  	[sflag:s16] =	ssyncset.done $0x0  }
0x97: {  	[sflag:s16] =	ssyncadd.s32 $0xFFFFE0C0  }
0x98: {  	_ =	swait.ge [sflag:s17], $0x1F40  }
0x99: {  	[sflag:s17] =	ssyncset.done $0x0  }
0x9a: {  	s31 =	simm.s32 $0x17820;
	[sflag:s17] =	ssyncadd.s32 $0xFFFFE0C0  }
0x9b: {  	v1 =	vld [tilespmem:s31+$0x10];
	_ =	sdelay $0x1  }
0x9c: {  	v5 =	vld [tilespmem:s31+$0xFFFFFFE0]  }
0x9d: {  	v3 =	vld [tilespmem:s31+$0xFFFFFFF0]  }
0x9e: {  	v8 =	vld [tilespmem:s31+$0x0]  }
0x9f: {  	v6 =	vand.u32 $0xFFFF, v1  }
0xa0: {  	s21 =	simm.s32 $0x197A0  }
0xa1: {  	v4 =	vld [tilespmem:s21+$0x10];
	v9 =	vand.u32 $0xFFFF, v5  }
0xa2: {  	v2 =	vld [tilespmem:s21+$0xFFFFFFE0];
	v7 =	vand.u32 $0xFFFF, v3  }
0xa3: {  	v10 =	vshrl.u32 v1, $0x10;
	v18 =	vand.u32 $0xFFFF, v8;
	v1 =	vld [tilespmem:s21+$0xFFFFFFF0]  }
0xa4: {  	v11 =	vld.idx.msk [tilespmem:v6+s3+$0x0], $0xffff  }
0xa5: {  	v19 =	vshrl.u32 v3, $0x10;
	v3 =	vld [tilespmem:s21+$0x0]  }
0xa6: {  	v13 =	vld.idx.msk [tilespmem:v9+s3+$0x0], $0xffff  }
0xa7: {  	v14 =	vadd.s32 $0x2710, v6;
	v12 =	vld.idx.msk [tilespmem:v7+s3+$0x0], $0xffff  }
0xa8: {  	v5 =	vshrl.u32 v5, $0x10;
	v16 =	vld.idx.msk [tilespmem:v18+s3+$0x0], $0xffff  }
0xa9: {  	v11 =	vmul.f32 v11, v4  }
0xaa: {  	v20 =	vshrl.u32 v8, $0x10  }
0xab: {  	v8 =	vadd.s32 $0x2710, v18;
	v13 =	vmul.f32 v13, v2;
	[tilespmem:v10+s15+$0x0] =	vst.idx.add.f32.msk $0xffff, v11  }
0xac: {  	v12 =	vmul.f32 v12, v1;
	v11 =	vadd.s32 $0x2710, v9;
	v14 =	vld.idx.msk [tilespmem:v14+s3+$0x0], $0xffff  }
0xad: {  	v15 =	vadd.s32 $0x2710, v7;
	v16 =	vmul.f32 v16, v3;
	[tilespmem:v5+s15+$0x0] =	vst.idx.add.f32.msk $0xffff, v13  }
0xae: {  	v17 =	vadd.s32 $0x2710, v10;
	[tilespmem:v19+s15+$0x0] =	vst.idx.add.f32.msk $0xffff, v12  }
0xaf: {  	v13 =	vadd.s32 $0x4E20, v6;
	[tilespmem:v20+s15+$0x0] =	vst.idx.add.f32.msk $0xffff, v16  }
0xb0: {  	v8 =	vld.idx.msk [tilespmem:v8+s3+$0x0], $0xffff  }
0xb1: {  	v11 =	vld.idx.msk [tilespmem:v11+s3+$0x0], $0xffff;
	v12 =	vmul.f32 v14, v4  }
0xb2: {  	v21 =	vadd.s32 $0x2710, v20;
	v14 =	vld.idx.msk [tilespmem:v15+s3+$0x0], $0xffff  }
0xb3: {  	v15 =	vadd.s32 $0x2710, v5;
	[tilespmem:v17+s15+$0x0] =	vst.idx.add.f32.msk $0xffff, v12  }
0xb4: {  	v12 =	vadd.s32 $0x2710, v19;
	v13 =	vld.idx.msk [tilespmem:v13+s3+$0x0], $0xffff  }
0xb5: {  	v23 =	vmul.f32 v8, v3;
	v17 =	vadd.s32 $0x4E20, v9  }
0xb6: {  	v16 =	vadd.s32 $0x4E20, v10;
	v11 =	vmul.f32 v11, v2  }
0xb7: {  	v6 =	vadd.s32 $0x7530, v6;
	[tilespmem:v21+s15+$0x0] =	vst.idx.add.f32.msk $0xffff, v23;
	v14 =	vmul.f32 v14, v1  }
0xb8: {  	v22 =	vadd.s32 $0x4E20, v7;
	[tilespmem:v15+s15+$0x0] =	vst.idx.add.f32.msk $0xffff, v11  }
0xb9: {  	[tilespmem:v12+s15+$0x0] =	vst.idx.add.f32.msk $0xffff, v14;
	v11 =	vmul.f32 v13, v4  }
0xba: {  	v8 =	vadd.s32 $0x4E20, v20;
	v17 =	vld.idx.msk [tilespmem:v17+s3+$0x0], $0xffff  }
0xbb: {  	v15 =	vadd.s32 $0x4E20, v18;
	v12 =	vadd.s32 $0x4E20, v5;
	v14 =	vadd.s32 $0x4E20, v19;
	[tilespmem:v16+s15+$0x0] =	vst.idx.add.f32.msk $0xffff, v11  }
0xbc: {  	v13 =	vadd.s32 $0x7530, v7;
	v7 =	vadd.s32 $0x7530, v5;
	v5 =	vadd.s32 $0x7530, v20;
	v16 =	vld.idx.msk [tilespmem:v6+s3+$0x0], $0xffff  }
0xbd: {  	s22 =	simm.s32 $0x0;
	s23 =	simm.s32 $0x17860;
	v11 =	vadd.s32 $0x7530, v9;
	v9 =	vadd.s32 $0x7530, v18;
	v18 =	vld.idx.msk [tilespmem:v22+s3+$0x0], $0xffff;
	v6 =	vadd.s32 $0x7530, v19  }
.LBB2_7:
0xbe: {  	v19 =	vld [tilespmem:s23+$0x10];
	s22 =	sadd.s32 $0x4, s22;
	v10 =	vadd.s32 $0x7530, v10  }
0xbf: {  	v17 =	vmul.f32 v17, v2;
	v20 =	vld [tilespmem:s23+$0xFFFFFFF0];
	p0 =	slt.u32 s22, $0x1F0  }
0xc0: {  	v21 =	vld [tilespmem:s23+$0x0]  }
0xc1: {  	v4 =	vmul.f32 v16, v4;
	v22 =	vld [tilespmem:s23+$0xFFFFFFE0]  }
0xc2: {  	v16 =	vld.idx.msk [tilespmem:v15+s3+$0x0], $0xffff  }
0xc3: {  	v15 =	vmul.f32 v18, v1;
	v23 =	vand.u32 $0xFFFF, v19;
	[tilespmem:v10+s15+$0x0] =	vst.idx.add.f32.msk $0xffff, v4  }
0xc4: {  	v18 =	vshrl.u32 v20, $0x10;
	v10 =	vand.u32 $0xFFFF, v20;
	[tilespmem:v12+s15+$0x0] =	vst.idx.add.f32.msk $0xffff, v17  }
0xc5: {  	v17 =	vadd.s32 $0x2710, v10;
	v20 =	vshrl.u32 v21, $0x10;
	v21 =	vand.u32 $0xFFFF, v21;
	[tilespmem:v14+s15+$0x0] =	vst.idx.add.f32.msk $0xffff, v15  }
0xc6: {  	v24 =	vshrl.u32 v22, $0x10;
	v22 =	vand.u32 $0xFFFF, v22;
	v25 =	vadd.s32 $0x2710, v21;
	v26 =	vld.idx.msk [tilespmem:v11+s3+$0x0], $0xffff  }
0xc7: {  	v29 =	vadd.s32 $0x2710, v18;
	v27 =	vadd.s32 $0x2710, v22;
	v28 =	vadd.s32 $0x2710, v24;
	v30 =	vld.idx.msk [tilespmem:v13+s3+$0x0], $0xffff  }
0xc8: {  	s21 =	sadd.s32 $0x40, s21;
	v32 =	vadd.s32 $0x4E20, v10;
	v33 =	vadd.s32 $0x2710, v20;
	v31 =	vadd.s32 $0x4E20, v22;
	v34 =	vld.idx.msk [tilespmem:v23+s3+$0x0], $0xffff  }
0xc9: {  	v15 =	vadd.s32 $0x4E20, v21;
	v12 =	vadd.s32 $0x4E20, v24;
	v16 =	vmul.f32 v16, v3;
	v4 =	vld [tilespmem:s21+$0x10]  }
0xca: {  	v14 =	vadd.s32 $0x4E20, v18;
	v36 =	vadd.s32 $0x4E20, v20;
	v11 =	vadd.s32 $0x7530, v22;
	v35 =	vld.idx.msk [tilespmem:v10+s3+$0x0], $0xffff  }
0xcb: {  	v37 =	vadd.s32 $0x7530, v21;
	v13 =	vadd.s32 $0x7530, v10;
	v10 =	vshrl.u32 v19, $0x10;
	v22 =	vld.idx.msk [tilespmem:v22+s3+$0x0], $0xffff  }
0xcc: {  	v38 =	vadd.s32 $0x2710, v23;
	v19 =	vadd.s32 $0x7530, v24;
	v26 =	vmul.f32 v26, v2;
	v21 =	vld.idx.msk [tilespmem:v21+s3+$0x0], $0xffff  }
0xcd: {  	v39 =	vadd.s32 $0x7530, v18;
	v40 =	vadd.s32 $0x7530, v20;
	v30 =	vmul.f32 v30, v1;
	v2 =	vld [tilespmem:s21+$0xFFFFFFE0]  }
0xce: {  	v1 =	vld [tilespmem:s21+$0xFFFFFFF0];
	v34 =	vmul.f32 v34, v4  }
0xcf: {  	v41 =	vld [tilespmem:s21+$0x0]  }
0xd0: {  	[tilespmem:v10+s15+$0x0] =	vst.idx.add.f32.msk $0xffff, v34  }
0xd1: {  	v34 =	vld.idx.msk [tilespmem:v38+s3+$0x0], $0xffff  }
0xd2: {  	v22 =	vmul.f32 v22, v2;
	[tilespmem:v8+s15+$0x0] =	vst.idx.add.f32.msk $0xffff, v16;
	v8 =	vmov v36  }
0xd3: {  	v16 =	vmul.f32 v35, v1;
	v35 =	vld.idx.msk [tilespmem:v9+s3+$0x0], $0xffff;
	v9 =	vmov v37  }
0xd4: {  	[tilespmem:v24+s15+$0x0] =	vst.idx.add.f32.msk $0xffff, v22;
	v21 =	vmul.f32 v21, v41;
	v22 =	vadd.s32 $0x2710, v10  }
0xd5: {  	[tilespmem:v18+s15+$0x0] =	vst.idx.add.f32.msk $0xffff, v16;
	v16 =	vadd.s32 $0x4E20, v23  }
0xd6: {  	[tilespmem:v20+s15+$0x0] =	vst.idx.add.f32.msk $0xffff, v21  }
0xd7: {  	v20 =	vmul.f32 v34, v4;
	v18 =	vld.idx.msk [tilespmem:v27+s3+$0x0], $0xffff  }
0xd8: {  	v17 =	vld.idx.msk [tilespmem:v17+s3+$0x0], $0xffff  }
0xd9: {  	[tilespmem:v22+s15+$0x0] =	vst.idx.add.f32.msk $0xffff, v20;
	v20 =	vmul.f32 v35, v3;
	v3 =	vmov v41  }
0xda: {  	v16 =	vld.idx.msk [tilespmem:v16+s3+$0x0], $0xffff  }
0xdb: {  	v21 =	vld.idx.msk [tilespmem:v25+s3+$0x0], $0xffff  }
0xdc: {  	[tilespmem:v7+s15+$0x0] =	vst.idx.add.f32.msk $0xffff, v26;
	v7 =	vmov v19  }
0xdd: {  	v18 =	vmul.f32 v18, v2;
	v19 =	vadd.s32 $0x4E20, v10;
	[tilespmem:v6+s15+$0x0] =	vst.idx.add.f32.msk $0xffff, v30;
	v6 =	vmov v39  }
0xde: {  	v22 =	vadd.s32 $0x7530, v23;
	v17 =	vmul.f32 v17, v1;
	[tilespmem:v5+s15+$0x0] =	vst.idx.add.f32.msk $0xffff, v20;
	v5 =	vmov v40  }
0xdf: {  	[tilespmem:v28+s15+$0x0] =	vst.idx.add.f32.msk $0xffff, v18  }
0xe0: {  	v16 =	vmul.f32 v16, v4;
	[tilespmem:v29+s15+$0x0] =	vst.idx.add.f32.msk $0xffff, v17  }
.Ltmp2:
0xe1: {  	v18 =	vmul.f32 v21, v3;
	v17 =	vld.idx.msk [tilespmem:v31+s3+$0x0], $0xffff;
	(pc) =	sbr.rel @p0 .LBB2_7-.Ltmp2, $4  }
0xe2: {  	[tilespmem:v19+s15+$0x0] =	vst.idx.add.f32.msk $0xffff, v16  }
0xe3: {  	v16 =	vld.idx.msk [tilespmem:v22+s3+$0x0], $0xffff  }
0xe4: {  	[tilespmem:v33+s15+$0x0] =	vst.idx.add.f32.msk $0xffff, v18  }
0xe5: {  	s23 =	sadd.s32 $0x40, s23;
	v18 =	vld.idx.msk [tilespmem:v32+s3+$0x0], $0xffff  }
0xe6: {  	_ =	sdelay $0x3  }
0xe7: {  	v15 =	vld.idx.msk [tilespmem:v15+s3+$0x0], $0xffff  }
0xe8: {  	v17 =	vmul.f32 v17, v2;
	_ =	sdelay $0x1  }
0xe9: {  	[tilespmem:v12+s15+$0x0] =	vst.idx.add.f32.msk $0xffff, v17;
	v18 =	vmul.f32 v18, v1  }
0xea: {  	v11 =	vld.idx.msk [tilespmem:v11+s3+$0x0], $0xffff  }
0xeb: {  	v63 =	vmul.f32 v15, v3;
	[tilespmem:v14+s15+$0x0] =	vst.idx.add.f32.msk $0xffff, v18  }
0xec: {  	v13 =	vld.idx.msk [tilespmem:v13+s3+$0x0], $0xffff  }
0xed: {  	v10 =	vadd.s32 $0x7530, v10;
	[tilespmem:v8+s15+$0x0] =	vst.idx.add.f32.msk $0xffff, v63  }
0xee: {  	v8 =	vld.idx.msk [tilespmem:v9+s3+$0x0], $0xffff  }
0xef: {  	s20 =	sadd.s32 $0x1, s20  }
0xf0: {  	p0 =	sne.s32 s20, $0x14;
	v4 =	vmul.f32 v16, v4  }
.Ltmp3:
0xf1: {  	v2 =	vmul.f32 v11, v2;
	(pc) =	sbr.rel @p0 .LBB2_4-.Ltmp3, $4  }
0xf2: {  	[tilespmem:v10+s15+$0x0] =	vst.idx.add.f32.msk $0xffff, v4;
	v1 =	vmul.f32 v13, v1  }
0xf3: {  	[tilespmem:v7+s15+$0x0] =	vst.idx.add.f32.msk $0xffff, v2;
	v3 =	vmul.f32 v8, v3  }
0xf4: {  	[tilespmem:v6+s15+$0x0] =	vst.idx.add.f32.msk $0xffff, v1  }
0xf5: {  	[tilespmem:v5+s15+$0x0] =	vst.idx.add.f32.msk $0xffff, v3  }
0xf6: {  	s19 =	sadd.s32 $0x1, s19  }
0xf7: {  	p0 =	sne.s32 s19, s7  }
.Ltmp4:
0xf8: {  	_ = 	snop;
	(pc) =	sbr.rel @p0 .LBB2_1-.Ltmp4, $4  }
0xf9: {  	[hbm4b:s6+s3] =	stream.linear.scatter [tilespmem:s15], [sflag:$0x6], $0x9C40, $0x38;
	[tilespmem:$0x1B700] =	vst v63  }
0xfa: {  	_ =	swait.ge [sflag:s18], $0x9C40  }
0xfb: {  	[sflag:s18] =	ssyncset.done $0x0  }
0xfc: {  	[sflag:s18] =	ssyncadd.s32 $0xFFFF63C0  }
0xfd: {  	_ =	sfence.sel $0x180000  }
0xfe: {  	[bflag:$0x0] =	sbarrier.arrive $0xFFFF  }
0xff: {  	p0 =	sne.s32 s1, $0x0;
	_ =	strace $0x90000047  }
0x100: {  	s0 =	sadd.s32 @!p0 $0x100000, s0;
	[bflag:$0x2] =	sbarrier.arrive $0xFFFF  }
0x101: {  	[sflag:s0] =	ssyncadd.tile.s32 @!p0 $0x1;
	_ =	shalt  }
.Lfunc_end2:
_tile_overlayer_lowered:
.L_overlay_start_2:
0x102: {  	(tag) =	ssettag $0x2  }
0x103: {  	s0 =	rddreg [dreg:$0x0];
	s2 =	stileid.u32  }
0x104: {  	s1 =	rddreg [dreg:$0x1];
	p0 =	sne.s32 s2, $0x0  }
0x105: {  	s3 =	rddreg [dreg:$0x2];
	[bflag:$0x3] =	sbarrier.arrive $0xFFFF;
	s2 =	simm.s32 @!p0 $0x1C06  }
0x106: {  	[timem:s3], [sflag:s2] =	dma.local @!p0 [hbm:s0], s1  }
0x107: {  	s0 =	simm.s32 @!p0 $0x6  }
0x108: {  	_ =	swait.ge @!p0 [sflag:s0], s1  }
0x109: {  	s1 =	ssub.s32 @!p0 $0x0, s1;
	[sflag:s0] =	ssyncset.done @!p0 $0x0  }
0x10a: {  	[sflag:s0] =	ssyncadd.s32 @!p0 s1  }
0x10b: {  	[bflag:$0x3] =	sbarrier.arrive $0xFFFF  }
0x10c: {  	_ =	shalt  }

// kernel: kernel.13.cloned.1.call-start
scs
__scs_entry_jumppad:
0x0: {  	(pc) =	sbr.rel $0x88, $3  }
0x1: {  	(tag) =	ssettag $0x0;
	lr =	simm.s32 $0x1  }
0x2: {  	[smem:$0x3F96] =	sst lr;
	_ =	strace $0xD0000000  }
0x3: {  	_ = 	snop  }
0x4: {  	_ = 	snop  }
0x5: {  	_ = 	snop  }
0x6: {  	_ = 	snop  }
0x7: {  	_ = 	snop  }
__scs_overlays_trampoline_lowered:
0x8: {  	[smem:$0x3FA5] =	sst s0  }
0x9: {  	[smem:$0x3FA6] =	sst s1  }
0xa: {  	[smem:$0x3FA7] =	sst s2  }
0xb: {  	[smem:$0x3FA8] =	sst s3  }
0xc: {  	[smem:$0x3FA9] =	sst s4  }
0xd: {  	[smem:$0x3FAA] =	sst s5  }
0xe: {  	[smem:$0x3FAB] =	sst s6  }
0xf: {  	[smem:$0x3FAC] =	sst s7  }
0x10: {  	[smem:$0x3FAD] =	sst s8  }
0x11: {  	[smem:$0x3FAE] =	sst s9;
	s0 =	simm.s32 @!p0 $0x0  }
0x12: {  	s1 =	sld [smem:$0x3F94];
	s0 =	simm.s32 @p0 $0x1  }
0x13: {  	[smem:$0x3FAF] =	sst s0;
	s0 =	simm.s32 @!p1 $0x0  }
0x14: {  	s2 =	sld [smem:$0x3F93];
	s0 =	simm.s32 @p1 $0x1  }
0x15: {  	[smem:$0x3FB0] =	sst s0;
	s0 =	simm.s32 @!p2 $0x0  }
0x16: {  	s3 =	sld [smem:$0x3FDB];
	s0 =	simm.s32 @p2 $0x1  }
0x17: {  	s4 =	simm.s32 $0x1BF5;
	[smem:$0x3FB2] =	sst s0  }
0x18: {  	s0 =	sld [smem:$0x3F95];
	_ =	swait.ge [sflag:s4], $0x0  }
0x19: {  	s7 =	sld [smem:$0x3F96]  }
0x1a: {  	s8 =	sadd.s32 $0xFFFFE003, lr  }
0x1b: {  	s9 =	sadd.s32 $0xFFFFFEF7, lr;
	s5 =	simm.s32 $0xFFFFFFFF;
	p2 =	slt.u32 s8, $0xFFFFF086  }
0x1c: {  	p1 =	slt.u32 s9, $0xF7A;
	s5 =	simm.s32 @!p2 $0x0  }
0x1d: {  	s5 =	simm.s32 @p1 $0x1;
	p0 =	seq.s32 s7, s2  }
0x1e: {  	s7 =	smul.u32 @!p0 $0xF7A, s2;
	p2 =	seq.s32 @!p0 s5, $0x0  }
0x1f: {  	s9 =	smul.u32 $0xF7A, s1;
	s8 =	simm.s32 @!p0 $0x1BF5;
	p2 =	por !p2, p0  }
0x20: {  	[sflag:s8] =	ssyncset.s32 @!p0 $0xFFFFF086;
	s6 =	sadd.s32 @!p0 s3, s7;
	s7 =	simm.s32 @!p0 $0x108  }
0x21: {  	s3 =	sadd.s32 s3, s9;
	s6 =	sadd.s32 @!p0 $0x88, s6;
	s7 =	simm.s32 @p2 $0x1082  }
0x22: {  	[simem:s7], [sflag:s8] =	dma.local @!p0 [hbm:s6], $0xF7A  }
0x23: {  	s9 =	sor.u32 $0xD0000000, s2;
	s6 =	simm.s32 $0x108;
	_ =	swait.ge @!p0 [sflag:s8], $0x0  }
0x24: {  	s3 =	sadd.s32 $0x88, s3;
	s6 =	simm.s32 @!p1 $0x1082;
	[sflag:s4] =	ssyncset.s32 $0xFFFFF086  }
0x25: {  	[simem:s6], [sflag:s4] =	dma.local [hbm:s3], $0xF7A  }
0x26: {  	[smem:$0x3F96] =	sst s1;
	(tag) =	ssettag s2;
	_ =	strace s9  }
0x27: {  	s1 =	sld [smem:$0x3FA6]  }
0x28: {  	s2 =	sld [smem:$0x3FA7]  }
0x29: {  	s4 =	sld [smem:$0x3FA9]  }
0x2a: {  	p0 =	seq.s32 s5, $0x0;
	s5 =	sld [smem:$0x3FAA]  }
0x2b: {  	s6 =	sld [smem:$0x3FAB]  }
0x2c: {  	s7 =	sld [smem:$0x3FAC]  }
0x2d: {  	s3 =	simm.s32 $0x108;
	s8 =	sld [smem:$0x3FAD]  }
0x2e: {  	s3 =	simm.s32 @!p0 $0x1082;
	s9 =	sld [smem:$0x3FAE]  }
0x2f: {  	lr =	sadd.s32 s0, s3;
	s0 =	sld [smem:$0x3FA5]  }
0x30: {  	s3 =	sld [smem:$0x3FA8]  }
0x31: {  	[smem:$0x3FB1] =	sst s10  }
0x32: {  	s10 =	sld [smem:$0x3FAF];
	_ =	sdelay $0x3  }
0x33: {  	p0 =	seq.s32 s10, $0x1;
	s10 =	sld [smem:$0x3FB1];
	_ =	sdelay $0x3  }
0x34: {  	[smem:$0x3FB1] =	sst s10  }
0x35: {  	s10 =	sld [smem:$0x3FB0];
	_ =	sdelay $0x3  }
0x36: {  	p1 =	seq.s32 s10, $0x1;
	s10 =	sld [smem:$0x3FB1];
	_ =	sdelay $0x3  }
0x37: {  	[smem:$0x3FB1] =	sst s10  }
0x38: {  	s10 =	sld [smem:$0x3FB2]  }
0x39: {  	_ = 	snop;
	(pc) =	sbr.ind lr, $3  }
0x3a: {  	_ = 	snop  }
0x3b: {  	_ = 	snop  }
0x3c: {  	p2 =	seq.s32 s10, $0x1;
	s10 =	sld [smem:$0x3FB1]  }
0x3d: {  	_ =	shalt  }
0x3e: {  	_ =	shalt  }
0x3f: {  	_ =	shalt  }
0x40: {  	_ =	shalt  }
0x41: {  	_ =	shalt  }
0x42: {  	_ =	shalt  }
0x43: {  	_ =	shalt  }
0x44: {  	_ =	shalt  }
0x45: {  	_ =	shalt  }
0x46: {  	_ =	shalt  }
0x47: {  	_ =	shalt  }
0x48: {  	_ =	shalt  }
0x49: {  	_ =	shalt  }
0x4a: {  	_ =	shalt  }
0x4b: {  	_ =	shalt  }
0x4c: {  	_ =	shalt  }
0x4d: {  	_ =	shalt  }
0x4e: {  	_ =	shalt  }
0x4f: {  	_ =	shalt  }
0x50: {  	_ =	shalt  }
0x51: {  	_ =	shalt  }
0x52: {  	_ =	shalt  }
0x53: {  	_ =	shalt  }
0x54: {  	_ =	shalt  }
0x55: {  	_ =	shalt  }
0x56: {  	_ =	shalt  }
0x57: {  	_ =	shalt  }
0x58: {  	_ =	shalt  }
0x59: {  	_ =	shalt  }
0x5a: {  	_ =	shalt  }
0x5b: {  	_ =	shalt  }
0x5c: {  	_ =	shalt  }
0x5d: {  	_ =	shalt  }
0x5e: {  	_ =	shalt  }
0x5f: {  	_ =	shalt  }
0x60: {  	_ =	shalt  }
0x61: {  	_ =	shalt  }
0x62: {  	_ =	shalt  }
0x63: {  	_ =	shalt  }
0x64: {  	_ =	shalt  }
0x65: {  	_ =	shalt  }
0x66: {  	_ =	shalt  }
0x67: {  	_ =	shalt  }
0x68: {  	_ =	shalt  }
0x69: {  	_ =	shalt  }
0x6a: {  	_ =	shalt  }
0x6b: {  	_ =	shalt  }
0x6c: {  	_ =	shalt  }
0x6d: {  	_ =	shalt  }
0x6e: {  	_ =	shalt  }
0x6f: {  	_ =	shalt  }
0x70: {  	_ =	shalt  }
0x71: {  	_ =	shalt  }
0x72: {  	_ =	shalt  }
0x73: {  	_ =	shalt  }
0x74: {  	_ =	shalt  }
0x75: {  	_ =	shalt  }
0x76: {  	_ =	shalt  }
0x77: {  	_ =	shalt  }
0x78: {  	_ =	shalt  }
0x79: {  	_ =	shalt  }
0x7a: {  	_ =	shalt  }
0x7b: {  	_ =	shalt  }
0x7c: {  	_ =	shalt  }
0x7d: {  	_ =	shalt  }
0x7e: {  	_ =	shalt  }
0x7f: {  	_ =	shalt  }
0x80: {  	_ =	shalt  }
0x81: {  	_ =	shalt  }
0x82: {  	_ =	shalt  }
0x83: {  	_ =	shalt  }
0x84: {  	_ =	shalt  }
0x85: {  	_ =	shalt  }
0x86: {  	_ =	shalt  }
0x87: {  	_ =	shalt  }
.Lfunc_end0:
.L_simem_size_0:
called_computation.1_lowered:
.L_overlay_start_0:
0x88: {  	s2 =	sld [smem:$0x3FD9]  }
0x89: {  	s3 =	sld [smem:$0x3FFE];
	_ =	sdelay $0x1  }
0x8a: {  	s1 =	srdreg.scid  }
0x8b: {  	s0 =	sand.u32 $0x1, s1  }
0x8c: {  	s14 =	sshll.u32 s0, $0xA;
	s2 =	sadd.s32 s3, s2  }
0x8d: {  	s2 =	sadd.s32 s2, s14  }
0x8e: {  	[smem:$0x3FBD] =	sst s2  }
0x8f: {  	_ = 	snop  }
0x90: {  	s2 =	sld [smem:$0x3FD0];
	_ =	sdelay $0x2  }
0x91: {  	s4 =	simm.s32 $0xA;
	s5 =	simm.s32 $0x10;
	s15 =	sld [smem:$0x3FC6]  }
0x92: {  	[smem:s5], [sflag:s4] =	dma.local [hbm:s2], $0x1  }
0x93: {  	_ =	swait.eq [sflag:s4], $0x1  }
0x94: {  	[sflag:s4] =	ssyncset.done $0x0  }
0x95: {  	s16 =	sld [smem:$0x10];
	[sflag:s4] =	ssyncadd.s32 $0xFFFFFFFF  }
0x96: {  	s17 =	sld [smem:$0x11];
	(tm) =	ssettm $0x1  }
0x97: {  	s18 =	sld [smem:$0x3FFB];
	_ =	sdelay $0x3  }
0x98: {  	_ =	strace s18  }
0x99: {  	s5 =	sld [smem:$0x3FFC];
	_ =	sdelay $0x3  }
0x9a: {  	_ =	strace s5  }
0x9b: {  	s5 =	sld [smem:$0x3FFD];
	_ =	sdelay $0x3  }
0x9c: {  	_ =	strace s5  }
0x9d: {  	_ =	strace $0x8FFFFFFF  }
0x9e: {  	s19 =	sld [smem:$0x3FDB];
	_ =	sdelay $0x1  }
0x9f: {  	s6 =	simm.s32 $_scs_section_size  }
0xa0: {  	s7 =	simm.s32 $_size__tile_overlayer_lowered;
	s8 =	simm.s32 $_tile_overlayer_lowered  }
0xa1: {  	s22 =	simm.s32 $0x1BFF;
	s21 =	sshll.u32 s8, $0x1;
	s5 =	sadd.s32 s6, s19  }
0xa2: {  	s9 =	simm.s32 $0x0;
	s20 =	sshll.u32 s7, $0x1;
	s7 =	sadd.s32 s21, s5  }
0xa3: {  	[timem:s9], [sflag:s22] =	dma.local [hbm:s7], s20  }
0xa4: {  	_ =	swait.ge [sflag:s22], s20  }
0xa5: {  	s6 =	ssub.s32 $0x0, s20;
	[sflag:s22] =	ssyncset.done $0x0  }
0xa6: {  	[sflag:s22] =	ssyncadd.s32 s6;
	_ =	sdelay $0x1  }
0xa7: {  	s23 =	simm.s32 $0x1B8B  }
0xa8: {  	_ =	swait.ge [sflag:s23], $0x1  }
0xa9: {  	[sflag:s23] =	ssyncset.done $0x0  }
0xaa: {  	s25 =	simm.s32 $0x1B8E;
	s24 =	sld [smem:$0x3FFE];
	[sflag:s23] =	ssyncadd.s32 $0xFFFFFFFF  }
0xab: {  	s26 =	simm.s32 $execute0_lowered;
	[smem:$0x3FD2] =	sst s25  }
0xac: {  	s7 =	sshll.u32 s26, $0x1;
	_ =	strace $0x80000049;
	[dreg:$0x1] =	wrdreg $0xFFFFFFFF  }
0xad: {  	s28 =	simm.s32 $_size_execute0_lowered;
	s5 =	sadd.s32 s5, s7;
	[dreg:$0x0] =	wrdreg $0x0  }
0xae: {  	s7 =	sshll.u32 s28, $0x1;
	[dreg:$0x2] =	wrdreg s5  }
0xaf: {  	[dreg:$0x3] =	wrdreg s7  }
0xb0: {  	[dreg:$0x4] =	wrdreg $0xC0  }
0xb1: {  	_ =	task [dreg:s9], $0x5FFFF  }
0xb2: {  	[dreg:$0x1] =	wrdreg $0xFFFFFFFF  }
0xb3: {  	[dreg:$0x0] =	wrdreg $0x60  }
0xb4: {  	[dreg:$0x2] =	wrdreg s17  }
0xb5: {  	[dreg:$0x3] =	wrdreg s24  }
0xb6: {  	[dreg:$0x4] =	wrdreg s15  }
0xb7: {  	[dreg:$0x5] =	wrdreg s16  }
0xb8: {  	[dreg:$0x6] =	wrdreg $0x9  }
0xb9: {  	_ =	task.clear_ibuf [dreg:s9], $0x7FFFF;
	_ =	strace $0x90000049  }
0xba: {  	s29 =	simm.s32 $0x9;
	_ =	strace $0x8000004B  }
0xbb: {  	_ =	swait.ge [sflag:s29], $0x1  }
0xbc: {  	[sflag:s29] =	ssyncadd.s32 $0xFFFFFFFF  }
0xbd: {  	_ =	strace $0x9000004B  }
0xbe: {  	_ =	sfence  }
0xbf: {  	s30 =	sld [smem:$0x0];
	_ =	sdelay $0x2  }
0xc0: {  	s31 =	sshll.u32 s1, $0xD;
	s1 =	sshrl.u32 s1, $0x2  }
0xc1: {  	s3 =	sand.u32 $0x4000, s31;
	s1 =	sadd.s32 s1, s30  }
0xc2: {  	s0 =	sor.u32 s3, s0;
	s1 =	sshll.u32 s1, $0x11  }
0xc3: {  	s0 =	sor.u32 s1, s0  }
0xc4: {  	s0 =	sadd.s32 $0x8F2B, s0  }
0xc5: {  	[sflag:s0] =	ssyncadd.remote.s32 $0x1  }
0xc6: {  	_ =	sfence.sel $0xFFFF  }
0xc7: {  	[dreg:$0x0] =	wrdreg $0xFFFFFFFF;
	(pc) =	sbr.abs _section_cstart, $3  }
0xc8: {  	[dreg:$0x1] =	wrdreg $0xFFFFFFFF  }
0xc9: {  	_ =	task.clear_ibuf [dreg:s9], $0x2FFFF;
	_ =	strace $0x9FFFFFFF  }
0xca: {  	(tm) =	ssettm $0x7FFFFFFF  }
0xcb: {  	_ =	shalt  }
tec
execute0_lowered:
.L_overlay_start_1:
0x0: {  	(tag) =	ssettag $0x1  }
0x1: {  	s5 =	rddreg [dreg:$0x0]  }
0x2: {  	s4 =	rddreg [dreg:$0x1]  }
0x3: {  	s2 =	rddreg [dreg:$0x2]  }
0x4: {  	s6 =	rddreg [dreg:$0x3]  }
0x5: {  	s3 =	srdreg.scid;
	s1 =	stileid.u32  }
0x6: {  	s0 =	rddreg [dreg:$0x4];
	s10 =	simm.s32 $0x1;
	s11 =	simm.s32 $0x17800  }
0x7: {  	s12 =	simm.s32 $0x19780;
	s13 =	simm.s32 $0x2;
	s14 =	simm.s32 $0x3  }
0x8: {  	s15 =	simm.s32 $0x9C80;
	s16 =	simm.s32 $0x4;
	s17 =	simm.s32 $0x5  }
0x9: {  	s18 =	simm.s32 $0x6;
	s7 =	sand.u32 $0x1, s3;
	s8 =	sshll.u32 s1, $0x1  }
0xa: {  	s3 =	simm.s32 $0x0;
	s9 =	ssub.s32 $0x2, s7;
	s7 =	sor.u32 s7, s8  }
0xb: {  	s19 =	simm.s32 $0x0;
	[smem:$0x7FF] =	sst s3;
	s7 =	smul.u32 $0x1388, s7  }
0xc: {  	s4 =	sadd.s32 $0x1600, s4;
	s31 =	sshrl.u32 s9, $0x1;
	_ =	strace $0x8000004A  }
0xd: {  	s8 =	ssub.s32 s9, s31;
	s9 =	simm.s32 $0x15880;
	s5 =	sadd.s32 s5, s7  }
0xe: {  	v0 =	vimm.f32 $0.0e+00;
	s6 =	sadd.s32 s6, s7;
	s7 =	smax.u32 s8, $0x1;
	s8 =	simm.s32 $0x13900  }
.LBB2_1:
0xf: {  	[tilespmem:s3], [sflag:$0x1] =	stream.linear.gather [hbm4b:s5+s3], $0x9C40, $0x38;
	[tilespmem:$0x1B700] =	vst v63  }
0x10: {  	_ = 	snop  }
0x11: {  	[tilespmem:s8], [sflag:$0x2] =	stream.linear.gather [hbm4b:s4+s3], $0x1F40, $0x38;
	[tilespmem:$0x1B700] =	vst v63  }
0x12: {  	s20 =	simm.s32 $0x9CD0  }
0x13: {  	[tilespmem:s9], [sflag:$0x3] =	stream.linear.gather [hbm4b:s2+s3], $0x1F40, $0x38;
	[tilespmem:$0x1B700] =	vst v63  }
0x14: {  	[tilespmem:s20+$0xFFFFFFC0] =	vst v0  }
0x15: {  	[tilespmem:s20+$0xFFFFFFD0] =	vst v0  }
0x16: {  	[tilespmem:s20+$0xFFFFFFE0] =	vst v0  }
0x17: {  	[tilespmem:s20+$0xFFFFFFF0] =	vst v0  }
0x18: {  	[tilespmem:s20+$0x0] =	vst v0  }
0x19: {  	[tilespmem:s20+$0x10] =	vst v0  }
0x1a: {  	[tilespmem:s20+$0x20] =	vst v0  }
0x1b: {  	[tilespmem:s20+$0x40] =	vst v0  }
0x1c: {  	s21 =	sand.u32 $0xFFE0, s3;
	[tilespmem:s20+$0xFFFFFFB0] =	vst v0  }
0x1d: {  	s22 =	simm.s32 $0x0;
	s20 =	simm.s32 $0x0;
	[tilespmem:s21+$0x9D00] =	vst v0;
	s21 =	simm.s32 $0x9D70  }
.LBB2_2:
0x1e: {  	[tilespmem:s21+$0xFFFFFFC0] =	vst v0  }
0x1f: {  	[tilespmem:s21+$0xFFFFFFD0] =	vst v0  }
0x20: {  	[tilespmem:s21+$0xFFFFFFE0] =	vst v0  }
0x21: {  	s20 =	sadd.s32 $0xA, s20;
	[tilespmem:s21+$0xFFFFFFF0] =	vst v0  }
0x22: {  	p0 =	slt.u32 s20, $0x9BA;
	[tilespmem:s21+$0x0] =	vst v0  }
.Ltmp0:
0x23: {  	[tilespmem:s21+$0x10] =	vst v0;
	(pc) =	sbr.rel @p0 .LBB2_2-.Ltmp0, $4  }
0x24: {  	[tilespmem:s21+$0x20] =	vst v0  }
0x25: {  	s22 =	sadd.s32 $0xA0, s22;
	[tilespmem:s21+$0x40] =	vst v0  }
0x26: {  	s23 =	sand.u32 $0xFFE0, s22;
	[tilespmem:s21+$0xFFFFFFB0] =	vst v0  }
0x27: {  	s21 =	sadd.s32 $0xA0, s21;
	[tilespmem:s23+$0x9D00] =	vst v0  }
0x28: {  	_ =	swait.ge [sflag:s10], $0x9C40  }
0x29: {  	[sflag:s10] =	ssyncset.done $0x0  }
0x2a: {  	s20 =	simm.s32 $0x0;
	[sflag:s10] =	ssyncadd.s32 $0xFFFF63C0  }
.LBB2_4:
0x2b: {  	s21 =	smul.u32 $0x3E80, s20;
	_ =	sdelay $0x1  }
0x2c: {  	s22 =	sshrl.u32 s21, $0x3  }
0x2d: {  	s22 =	sadd.s32 $0x3E8, s22  }
0x2e: {  	s23 =	sadd.s32 s4, s22  }
0x2f: {  	[tilespmem:s11], [sflag:$0x4] =	stream.linear.gather [hbm4b:s23+s3], $0x1F40, $0x38;
	[tilespmem:$0x1B700] =	vst v63  }
0x30: {  	s22 =	sadd.s32 s2, s22  }
0x31: {  	[tilespmem:s12], [sflag:$0x5] =	stream.linear.gather [hbm4b:s22+s3], $0x1F40, $0x38;
	[tilespmem:$0x1B700] =	vst v63  }
0x32: {  	_ =	swait.ge [sflag:s13], $0x1F40  }
0x33: {  	[sflag:s13] =	ssyncset.done $0x0  }
0x34: {  	[sflag:s13] =	ssyncadd.s32 $0xFFFFE0C0  }
0x35: {  	_ =	swait.ge [sflag:s14], $0x1F40  }
0x36: {  	[sflag:s14] =	ssyncset.done $0x0  }
0x37: {  	s31 =	simm.s32 $0x13920;
	[sflag:s14] =	ssyncadd.s32 $0xFFFFE0C0  }
0x38: {  	v1 =	vld [tilespmem:s31+$0x10];
	_ =	sdelay $0x1  }
0x39: {  	v5 =	vld [tilespmem:s31+$0xFFFFFFE0]  }
0x3a: {  	v3 =	vld [tilespmem:s31+$0xFFFFFFF0]  }
0x3b: {  	v8 =	vld [tilespmem:s31+$0x0]  }
0x3c: {  	v6 =	vand.u32 $0xFFFF, v1  }
0x3d: {  	s22 =	simm.s32 $0x158A0  }
0x3e: {  	v4 =	vld [tilespmem:s22+$0x10];
	v9 =	vand.u32 $0xFFFF, v5  }
0x3f: {  	v2 =	vld [tilespmem:s22+$0xFFFFFFE0];
	v7 =	vand.u32 $0xFFFF, v3  }
0x40: {  	v10 =	vshrl.u32 v1, $0x10;
	v18 =	vand.u32 $0xFFFF, v8;
	v1 =	vld [tilespmem:s22+$0xFFFFFFF0]  }
0x41: {  	v11 =	vld.idx.msk [tilespmem:v6+s3+$0x0], $0xffff  }
0x42: {  	v19 =	vshrl.u32 v3, $0x10;
	v3 =	vld [tilespmem:s22+$0x0]  }
0x43: {  	v13 =	vld.idx.msk [tilespmem:v9+s3+$0x0], $0xffff  }
0x44: {  	v14 =	vadd.s32 $0x2710, v6;
	v12 =	vld.idx.msk [tilespmem:v7+s3+$0x0], $0xffff  }
0x45: {  	v5 =	vshrl.u32 v5, $0x10;
	v16 =	vld.idx.msk [tilespmem:v18+s3+$0x0], $0xffff  }
0x46: {  	v11 =	vmul.f32 v11, v4  }
0x47: {  	v20 =	vshrl.u32 v8, $0x10  }
0x48: {  	v8 =	vadd.s32 $0x2710, v18;
	v13 =	vmul.f32 v13, v2;
	[tilespmem:v10+s15+$0x0] =	vst.idx.add.f32.msk $0xffff, v11  }
0x49: {  	v12 =	vmul.f32 v12, v1;
	v11 =	vadd.s32 $0x2710, v9;
	v14 =	vld.idx.msk [tilespmem:v14+s3+$0x0], $0xffff  }
0x4a: {  	v15 =	vadd.s32 $0x2710, v7;
	v16 =	vmul.f32 v16, v3;
	[tilespmem:v5+s15+$0x0] =	vst.idx.add.f32.msk $0xffff, v13  }
0x4b: {  	v17 =	vadd.s32 $0x2710, v10;
	[tilespmem:v19+s15+$0x0] =	vst.idx.add.f32.msk $0xffff, v12  }
0x4c: {  	v13 =	vadd.s32 $0x4E20, v6;
	[tilespmem:v20+s15+$0x0] =	vst.idx.add.f32.msk $0xffff, v16  }
0x4d: {  	v8 =	vld.idx.msk [tilespmem:v8+s3+$0x0], $0xffff  }
0x4e: {  	v11 =	vld.idx.msk [tilespmem:v11+s3+$0x0], $0xffff;
	v12 =	vmul.f32 v14, v4  }
0x4f: {  	v21 =	vadd.s32 $0x2710, v20;
	v14 =	vld.idx.msk [tilespmem:v15+s3+$0x0], $0xffff  }
0x50: {  	v15 =	vadd.s32 $0x2710, v5;
	[tilespmem:v17+s15+$0x0] =	vst.idx.add.f32.msk $0xffff, v12  }
0x51: {  	v12 =	vadd.s32 $0x2710, v19;
	v13 =	vld.idx.msk [tilespmem:v13+s3+$0x0], $0xffff  }
0x52: {  	v23 =	vmul.f32 v8, v3;
	v17 =	vadd.s32 $0x4E20, v9  }
0x53: {  	v16 =	vadd.s32 $0x4E20, v10;
	v11 =	vmul.f32 v11, v2  }
0x54: {  	v6 =	vadd.s32 $0x7530, v6;
	[tilespmem:v21+s15+$0x0] =	vst.idx.add.f32.msk $0xffff, v23;
	v14 =	vmul.f32 v14, v1  }
0x55: {  	v22 =	vadd.s32 $0x4E20, v7;
	[tilespmem:v15+s15+$0x0] =	vst.idx.add.f32.msk $0xffff, v11  }
0x56: {  	[tilespmem:v12+s15+$0x0] =	vst.idx.add.f32.msk $0xffff, v14;
	v11 =	vmul.f32 v13, v4  }
0x57: {  	v8 =	vadd.s32 $0x4E20, v20;
	v17 =	vld.idx.msk [tilespmem:v17+s3+$0x0], $0xffff  }
0x58: {  	v15 =	vadd.s32 $0x4E20, v18;
	v12 =	vadd.s32 $0x4E20, v5;
	v14 =	vadd.s32 $0x4E20, v19;
	[tilespmem:v16+s15+$0x0] =	vst.idx.add.f32.msk $0xffff, v11  }
0x59: {  	v13 =	vadd.s32 $0x7530, v7;
	v7 =	vadd.s32 $0x7530, v5;
	v5 =	vadd.s32 $0x7530, v20;
	v16 =	vld.idx.msk [tilespmem:v6+s3+$0x0], $0xffff  }
0x5a: {  	s24 =	simm.s32 $0x13960;
	s23 =	simm.s32 $0x0;
	v11 =	vadd.s32 $0x7530, v9;
	v9 =	vadd.s32 $0x7530, v18;
	v18 =	vld.idx.msk [tilespmem:v22+s3+$0x0], $0xffff;
	v6 =	vadd.s32 $0x7530, v19  }
.LBB2_5:
0x5b: {  	v19 =	vld [tilespmem:s24+$0x10];
	s23 =	sadd.s32 $0x4, s23;
	v10 =	vadd.s32 $0x7530, v10  }
0x5c: {  	v17 =	vmul.f32 v17, v2;
	v20 =	vld [tilespmem:s24+$0xFFFFFFF0];
	p0 =	slt.u32 s23, $0x1F0  }
0x5d: {  	v21 =	vld [tilespmem:s24+$0x0]  }
0x5e: {  	v4 =	vmul.f32 v16, v4;
	v22 =	vld [tilespmem:s24+$0xFFFFFFE0]  }
0x5f: {  	v16 =	vld.idx.msk [tilespmem:v15+s3+$0x0], $0xffff  }
0x60: {  	v15 =	vmul.f32 v18, v1;
	v23 =	vand.u32 $0xFFFF, v19;
	[tilespmem:v10+s15+$0x0] =	vst.idx.add.f32.msk $0xffff, v4  }
0x61: {  	v18 =	vshrl.u32 v20, $0x10;
	v10 =	vand.u32 $0xFFFF, v20;
	[tilespmem:v12+s15+$0x0] =	vst.idx.add.f32.msk $0xffff, v17  }
0x62: {  	v17 =	vadd.s32 $0x2710, v10;
	v20 =	vshrl.u32 v21, $0x10;
	v21 =	vand.u32 $0xFFFF, v21;
	[tilespmem:v14+s15+$0x0] =	vst.idx.add.f32.msk $0xffff, v15  }
0x63: {  	v24 =	vshrl.u32 v22, $0x10;
	v22 =	vand.u32 $0xFFFF, v22;
	v25 =	vadd.s32 $0x2710, v21;
	v26 =	vld.idx.msk [tilespmem:v11+s3+$0x0], $0xffff  }
0x64: {  	v29 =	vadd.s32 $0x2710, v18;
	v27 =	vadd.s32 $0x2710, v22;
	v28 =	vadd.s32 $0x2710, v24;
	v30 =	vld.idx.msk [tilespmem:v13+s3+$0x0], $0xffff  }
0x65: {  	s22 =	sadd.s32 $0x40, s22;
	v32 =	vadd.s32 $0x4E20, v10;
	v33 =	vadd.s32 $0x2710, v20;
	v31 =	vadd.s32 $0x4E20, v22;
	v34 =	vld.idx.msk [tilespmem:v23+s3+$0x0], $0xffff  }
0x66: {  	v15 =	vadd.s32 $0x4E20, v21;
	v12 =	vadd.s32 $0x4E20, v24;
	v16 =	vmul.f32 v16, v3;
	v4 =	vld [tilespmem:s22+$0x10]  }
0x67: {  	v14 =	vadd.s32 $0x4E20, v18;
	v36 =	vadd.s32 $0x4E20, v20;
	v11 =	vadd.s32 $0x7530, v22;
	v35 =	vld.idx.msk [tilespmem:v10+s3+$0x0], $0xffff  }
0x68: {  	v37 =	vadd.s32 $0x7530, v21;
	v13 =	vadd.s32 $0x7530, v10;
	v10 =	vshrl.u32 v19, $0x10;
	v22 =	vld.idx.msk [tilespmem:v22+s3+$0x0], $0xffff  }
0x69: {  	v38 =	vadd.s32 $0x2710, v23;
	v19 =	vadd.s32 $0x7530, v24;
	v26 =	vmul.f32 v26, v2;
	v21 =	vld.idx.msk [tilespmem:v21+s3+$0x0], $0xffff  }
0x6a: {  	v39 =	vadd.s32 $0x7530, v18;
	v40 =	vadd.s32 $0x7530, v20;
	v30 =	vmul.f32 v30, v1;
	v2 =	vld [tilespmem:s22+$0xFFFFFFE0]  }
0x6b: {  	v1 =	vld [tilespmem:s22+$0xFFFFFFF0];
	v34 =	vmul.f32 v34, v4  }
0x6c: {  	v41 =	vld [tilespmem:s22+$0x0]  }
0x6d: {  	[tilespmem:v10+s15+$0x0] =	vst.idx.add.f32.msk $0xffff, v34  }
0x6e: {  	v34 =	vld.idx.msk [tilespmem:v38+s3+$0x0], $0xffff  }
0x6f: {  	v22 =	vmul.f32 v22, v2;
	[tilespmem:v8+s15+$0x0] =	vst.idx.add.f32.msk $0xffff, v16;
	v8 =	vmov v36  }
0x70: {  	v16 =	vmul.f32 v35, v1;
	v35 =	vld.idx.msk [tilespmem:v9+s3+$0x0], $0xffff;
	v9 =	vmov v37  }
0x71: {  	[tilespmem:v24+s15+$0x0] =	vst.idx.add.f32.msk $0xffff, v22;
	v21 =	vmul.f32 v21, v41;
	v22 =	vadd.s32 $0x2710, v10  }
0x72: {  	[tilespmem:v18+s15+$0x0] =	vst.idx.add.f32.msk $0xffff, v16;
	v16 =	vadd.s32 $0x4E20, v23  }
0x73: {  	[tilespmem:v20+s15+$0x0] =	vst.idx.add.f32.msk $0xffff, v21  }
0x74: {  	v20 =	vmul.f32 v34, v4;
	v18 =	vld.idx.msk [tilespmem:v27+s3+$0x0], $0xffff  }
0x75: {  	v17 =	vld.idx.msk [tilespmem:v17+s3+$0x0], $0xffff  }
0x76: {  	[tilespmem:v22+s15+$0x0] =	vst.idx.add.f32.msk $0xffff, v20;
	v20 =	vmul.f32 v35, v3;
	v3 =	vmov v41  }
0x77: {  	v16 =	vld.idx.msk [tilespmem:v16+s3+$0x0], $0xffff  }
0x78: {  	v21 =	vld.idx.msk [tilespmem:v25+s3+$0x0], $0xffff  }
0x79: {  	[tilespmem:v7+s15+$0x0] =	vst.idx.add.f32.msk $0xffff, v26;
	v7 =	vmov v19  }
0x7a: {  	v18 =	vmul.f32 v18, v2;
	v19 =	vadd.s32 $0x4E20, v10;
	[tilespmem:v6+s15+$0x0] =	vst.idx.add.f32.msk $0xffff, v30;
	v6 =	vmov v39  }
0x7b: {  	v22 =	vadd.s32 $0x7530, v23;
	v17 =	vmul.f32 v17, v1;
	[tilespmem:v5+s15+$0x0] =	vst.idx.add.f32.msk $0xffff, v20;
	v5 =	vmov v40  }
0x7c: {  	[tilespmem:v28+s15+$0x0] =	vst.idx.add.f32.msk $0xffff, v18  }
0x7d: {  	v16 =	vmul.f32 v16, v4;
	[tilespmem:v29+s15+$0x0] =	vst.idx.add.f32.msk $0xffff, v17  }
.Ltmp1:
0x7e: {  	v18 =	vmul.f32 v21, v3;
	v17 =	vld.idx.msk [tilespmem:v31+s3+$0x0], $0xffff;
	(pc) =	sbr.rel @p0 .LBB2_5-.Ltmp1, $4  }
0x7f: {  	[tilespmem:v19+s15+$0x0] =	vst.idx.add.f32.msk $0xffff, v16  }
0x80: {  	v16 =	vld.idx.msk [tilespmem:v22+s3+$0x0], $0xffff  }
0x81: {  	[tilespmem:v33+s15+$0x0] =	vst.idx.add.f32.msk $0xffff, v18  }
0x82: {  	s24 =	sadd.s32 $0x40, s24;
	v18 =	vld.idx.msk [tilespmem:v32+s3+$0x0], $0xffff  }
0x83: {  	_ =	sdelay $0x3  }
0x84: {  	v15 =	vld.idx.msk [tilespmem:v15+s3+$0x0], $0xffff  }
0x85: {  	v17 =	vmul.f32 v17, v2;
	_ =	sdelay $0x1  }
0x86: {  	[tilespmem:v12+s15+$0x0] =	vst.idx.add.f32.msk $0xffff, v17;
	v18 =	vmul.f32 v18, v1  }
0x87: {  	v11 =	vld.idx.msk [tilespmem:v11+s3+$0x0], $0xffff  }
0x88: {  	v12 =	vmul.f32 v15, v3;
	[tilespmem:v14+s15+$0x0] =	vst.idx.add.f32.msk $0xffff, v18  }
0x89: {  	v13 =	vld.idx.msk [tilespmem:v13+s3+$0x0], $0xffff  }
0x8a: {  	v10 =	vadd.s32 $0x7530, v10;
	[tilespmem:v8+s15+$0x0] =	vst.idx.add.f32.msk $0xffff, v12  }
0x8b: {  	v8 =	vld.idx.msk [tilespmem:v9+s3+$0x0], $0xffff;
	_ =	sdelay $0x1  }
0x8c: {  	v4 =	vmul.f32 v16, v4  }
0x8d: {  	v2 =	vmul.f32 v11, v2  }
0x8e: {  	p0 =	seq.s32 s20, $0x13;
	[tilespmem:v10+s15+$0x0] =	vst.idx.add.f32.msk $0xffff, v4;
	v1 =	vmul.f32 v13, v1  }
0x8f: {  	s21 =	sshrl.u32 @!p0 s21, $0x3;
	[tilespmem:v7+s15+$0x0] =	vst.idx.add.f32.msk $0xffff, v2;
	v3 =	vmul.f32 v8, v3  }
0x90: {  	s21 =	sadd.s32 @!p0 $0x7D0, s21;
	[tilespmem:v6+s15+$0x0] =	vst.idx.add.f32.msk $0xffff, v1  }
0x91: {  	s23 =	simm.s32 @!p0 $0x0;
	s24 =	simm.s32 @!p0 $0x13900;
	s22 =	sadd.s32 @!p0 s4, s21;
	[tilespmem:v5+s15+$0x0] =	vst.idx.add.f32.msk $0xffff, v3  }
0x92: {  	[tilespmem:s24], [sflag:$0x2] =	stream.linear.gather @!p0 [hbm4b:s22+s23], $0x1F40, $0x38;
	[tilespmem:$0x1B700] =	vst v63  }
0x93: {  	s21 =	sadd.s32 @!p0 s2, s21;
	s22 =	simm.s32 @!p0 $0x15880  }
0x94: {  	[tilespmem:s22], [sflag:$0x3] =	stream.linear.gather @!p0 [hbm4b:s21+s23], $0x1F40, $0x38;
	[tilespmem:$0x1B700] =	vst v63  }
0x95: {  	_ =	swait.ge [sflag:s16], $0x1F40  }
0x96: {  	[sflag:s16] =	ssyncset.done $0x0  }
0x97: {  	[sflag:s16] =	ssyncadd.s32 $0xFFFFE0C0  }
0x98: {  	_ =	swait.ge [sflag:s17], $0x1F40  }
0x99: {  	[sflag:s17] =	ssyncset.done $0x0  }
0x9a: {  	s31 =	simm.s32 $0x17820;
	[sflag:s17] =	ssyncadd.s32 $0xFFFFE0C0  }
0x9b: {  	v1 =	vld [tilespmem:s31+$0x10];
	_ =	sdelay $0x1  }
0x9c: {  	v5 =	vld [tilespmem:s31+$0xFFFFFFE0]  }
0x9d: {  	v3 =	vld [tilespmem:s31+$0xFFFFFFF0]  }
0x9e: {  	v8 =	vld [tilespmem:s31+$0x0]  }
0x9f: {  	v6 =	vand.u32 $0xFFFF, v1  }
0xa0: {  	s21 =	simm.s32 $0x197A0  }
0xa1: {  	v4 =	vld [tilespmem:s21+$0x10];
	v9 =	vand.u32 $0xFFFF, v5  }
0xa2: {  	v2 =	vld [tilespmem:s21+$0xFFFFFFE0];
	v7 =	vand.u32 $0xFFFF, v3  }
0xa3: {  	v10 =	vshrl.u32 v1, $0x10;
	v18 =	vand.u32 $0xFFFF, v8;
	v1 =	vld [tilespmem:s21+$0xFFFFFFF0]  }
0xa4: {  	v11 =	vld.idx.msk [tilespmem:v6+s3+$0x0], $0xffff  }
0xa5: {  	v19 =	vshrl.u32 v3, $0x10;
	v3 =	vld [tilespmem:s21+$0x0]  }
0xa6: {  	v13 =	vld.idx.msk [tilespmem:v9+s3+$0x0], $0xffff  }
0xa7: {  	v14 =	vadd.s32 $0x2710, v6;
	v12 =	vld.idx.msk [tilespmem:v7+s3+$0x0], $0xffff  }
0xa8: {  	v5 =	vshrl.u32 v5, $0x10;
	v16 =	vld.idx.msk [tilespmem:v18+s3+$0x0], $0xffff  }
0xa9: {  	v11 =	vmul.f32 v11, v4  }
0xaa: {  	v20 =	vshrl.u32 v8, $0x10  }
0xab: {  	v8 =	vadd.s32 $0x2710, v18;
	v13 =	vmul.f32 v13, v2;
	[tilespmem:v10+s15+$0x0] =	vst.idx.add.f32.msk $0xffff, v11  }
0xac: {  	v12 =	vmul.f32 v12, v1;
	v11 =	vadd.s32 $0x2710, v9;
	v14 =	vld.idx.msk [tilespmem:v14+s3+$0x0], $0xffff  }
0xad: {  	v15 =	vadd.s32 $0x2710, v7;
	v16 =	vmul.f32 v16, v3;
	[tilespmem:v5+s15+$0x0] =	vst.idx.add.f32.msk $0xffff, v13  }
0xae: {  	v17 =	vadd.s32 $0x2710, v10;
	[tilespmem:v19+s15+$0x0] =	vst.idx.add.f32.msk $0xffff, v12  }
0xaf: {  	v13 =	vadd.s32 $0x4E20, v6;
	[tilespmem:v20+s15+$0x0] =	vst.idx.add.f32.msk $0xffff, v16  }
0xb0: {  	v8 =	vld.idx.msk [tilespmem:v8+s3+$0x0], $0xffff  }
0xb1: {  	v11 =	vld.idx.msk [tilespmem:v11+s3+$0x0], $0xffff;
	v12 =	vmul.f32 v14, v4  }
0xb2: {  	v21 =	vadd.s32 $0x2710, v20;
	v14 =	vld.idx.msk [tilespmem:v15+s3+$0x0], $0xffff  }
0xb3: {  	v15 =	vadd.s32 $0x2710, v5;
	[tilespmem:v17+s15+$0x0] =	vst.idx.add.f32.msk $0xffff, v12  }
0xb4: {  	v12 =	vadd.s32 $0x2710, v19;
	v13 =	vld.idx.msk [tilespmem:v13+s3+$0x0], $0xffff  }
0xb5: {  	v23 =	vmul.f32 v8, v3;
	v17 =	vadd.s32 $0x4E20, v9  }
0xb6: {  	v16 =	vadd.s32 $0x4E20, v10;
	v11 =	vmul.f32 v11, v2  }
0xb7: {  	v6 =	vadd.s32 $0x7530, v6;
	[tilespmem:v21+s15+$0x0] =	vst.idx.add.f32.msk $0xffff, v23;
	v14 =	vmul.f32 v14, v1  }
0xb8: {  	v22 =	vadd.s32 $0x4E20, v7;
	[tilespmem:v15+s15+$0x0] =	vst.idx.add.f32.msk $0xffff, v11  }
0xb9: {  	[tilespmem:v12+s15+$0x0] =	vst.idx.add.f32.msk $0xffff, v14;
	v11 =	vmul.f32 v13, v4  }
0xba: {  	v8 =	vadd.s32 $0x4E20, v20;
	v17 =	vld.idx.msk [tilespmem:v17+s3+$0x0], $0xffff  }
0xbb: {  	v15 =	vadd.s32 $0x4E20, v18;
	v12 =	vadd.s32 $0x4E20, v5;
	v14 =	vadd.s32 $0x4E20, v19;
	[tilespmem:v16+s15+$0x0] =	vst.idx.add.f32.msk $0xffff, v11  }
0xbc: {  	v13 =	vadd.s32 $0x7530, v7;
	v7 =	vadd.s32 $0x7530, v5;
	v5 =	vadd.s32 $0x7530, v20;
	v16 =	vld.idx.msk [tilespmem:v6+s3+$0x0], $0xffff  }
0xbd: {  	s22 =	simm.s32 $0x0;
	s23 =	simm.s32 $0x17860;
	v11 =	vadd.s32 $0x7530, v9;
	v9 =	vadd.s32 $0x7530, v18;
	v18 =	vld.idx.msk [tilespmem:v22+s3+$0x0], $0xffff;
	v6 =	vadd.s32 $0x7530, v19  }
.LBB2_7:
0xbe: {  	v19 =	vld [tilespmem:s23+$0x10];
	s22 =	sadd.s32 $0x4, s22;
	v10 =	vadd.s32 $0x7530, v10  }
0xbf: {  	v17 =	vmul.f32 v17, v2;
	v20 =	vld [tilespmem:s23+$0xFFFFFFF0];
	p0 =	slt.u32 s22, $0x1F0  }
0xc0: {  	v21 =	vld [tilespmem:s23+$0x0]  }
0xc1: {  	v4 =	vmul.f32 v16, v4;
	v22 =	vld [tilespmem:s23+$0xFFFFFFE0]  }
0xc2: {  	v16 =	vld.idx.msk [tilespmem:v15+s3+$0x0], $0xffff  }
0xc3: {  	v15 =	vmul.f32 v18, v1;
	v23 =	vand.u32 $0xFFFF, v19;
	[tilespmem:v10+s15+$0x0] =	vst.idx.add.f32.msk $0xffff, v4  }
0xc4: {  	v18 =	vshrl.u32 v20, $0x10;
	v10 =	vand.u32 $0xFFFF, v20;
	[tilespmem:v12+s15+$0x0] =	vst.idx.add.f32.msk $0xffff, v17  }
0xc5: {  	v17 =	vadd.s32 $0x2710, v10;
	v20 =	vshrl.u32 v21, $0x10;
	v21 =	vand.u32 $0xFFFF, v21;
	[tilespmem:v14+s15+$0x0] =	vst.idx.add.f32.msk $0xffff, v15  }
0xc6: {  	v24 =	vshrl.u32 v22, $0x10;
	v22 =	vand.u32 $0xFFFF, v22;
	v25 =	vadd.s32 $0x2710, v21;
	v26 =	vld.idx.msk [tilespmem:v11+s3+$0x0], $0xffff  }
0xc7: {  	v29 =	vadd.s32 $0x2710, v18;
	v27 =	vadd.s32 $0x2710, v22;
	v28 =	vadd.s32 $0x2710, v24;
	v30 =	vld.idx.msk [tilespmem:v13+s3+$0x0], $0xffff  }
0xc8: {  	s21 =	sadd.s32 $0x40, s21;
	v32 =	vadd.s32 $0x4E20, v10;
	v33 =	vadd.s32 $0x2710, v20;
	v31 =	vadd.s32 $0x4E20, v22;
	v34 =	vld.idx.msk [tilespmem:v23+s3+$0x0], $0xffff  }
0xc9: {  	v15 =	vadd.s32 $0x4E20, v21;
	v12 =	vadd.s32 $0x4E20, v24;
	v16 =	vmul.f32 v16, v3;
	v4 =	vld [tilespmem:s21+$0x10]  }
0xca: {  	v14 =	vadd.s32 $0x4E20, v18;
	v36 =	vadd.s32 $0x4E20, v20;
	v11 =	vadd.s32 $0x7530, v22;
	v35 =	vld.idx.msk [tilespmem:v10+s3+$0x0], $0xffff  }
0xcb: {  	v37 =	vadd.s32 $0x7530, v21;
	v13 =	vadd.s32 $0x7530, v10;
	v10 =	vshrl.u32 v19, $0x10;
	v22 =	vld.idx.msk [tilespmem:v22+s3+$0x0], $0xffff  }
0xcc: {  	v38 =	vadd.s32 $0x2710, v23;
	v19 =	vadd.s32 $0x7530, v24;
	v26 =	vmul.f32 v26, v2;
	v21 =	vld.idx.msk [tilespmem:v21+s3+$0x0], $0xffff  }
0xcd: {  	v39 =	vadd.s32 $0x7530, v18;
	v40 =	vadd.s32 $0x7530, v20;
	v30 =	vmul.f32 v30, v1;
	v2 =	vld [tilespmem:s21+$0xFFFFFFE0]  }
0xce: {  	v1 =	vld [tilespmem:s21+$0xFFFFFFF0];
	v34 =	vmul.f32 v34, v4  }
0xcf: {  	v41 =	vld [tilespmem:s21+$0x0]  }
0xd0: {  	[tilespmem:v10+s15+$0x0] =	vst.idx.add.f32.msk $0xffff, v34  }
0xd1: {  	v34 =	vld.idx.msk [tilespmem:v38+s3+$0x0], $0xffff  }
0xd2: {  	v22 =	vmul.f32 v22, v2;
	[tilespmem:v8+s15+$0x0] =	vst.idx.add.f32.msk $0xffff, v16;
	v8 =	vmov v36  }
0xd3: {  	v16 =	vmul.f32 v35, v1;
	v35 =	vld.idx.msk [tilespmem:v9+s3+$0x0], $0xffff;
	v9 =	vmov v37  }
0xd4: {  	[tilespmem:v24+s15+$0x0] =	vst.idx.add.f32.msk $0xffff, v22;
	v21 =	vmul.f32 v21, v41;
	v22 =	vadd.s32 $0x2710, v10  }
0xd5: {  	[tilespmem:v18+s15+$0x0] =	vst.idx.add.f32.msk $0xffff, v16;
	v16 =	vadd.s32 $0x4E20, v23  }
0xd6: {  	[tilespmem:v20+s15+$0x0] =	vst.idx.add.f32.msk $0xffff, v21  }
0xd7: {  	v20 =	vmul.f32 v34, v4;
	v18 =	vld.idx.msk [tilespmem:v27+s3+$0x0], $0xffff  }
0xd8: {  	v17 =	vld.idx.msk [tilespmem:v17+s3+$0x0], $0xffff  }
0xd9: {  	[tilespmem:v22+s15+$0x0] =	vst.idx.add.f32.msk $0xffff, v20;
	v20 =	vmul.f32 v35, v3;
	v3 =	vmov v41  }
0xda: {  	v16 =	vld.idx.msk [tilespmem:v16+s3+$0x0], $0xffff  }
0xdb: {  	v21 =	vld.idx.msk [tilespmem:v25+s3+$0x0], $0xffff  }
0xdc: {  	[tilespmem:v7+s15+$0x0] =	vst.idx.add.f32.msk $0xffff, v26;
	v7 =	vmov v19  }
0xdd: {  	v18 =	vmul.f32 v18, v2;
	v19 =	vadd.s32 $0x4E20, v10;
	[tilespmem:v6+s15+$0x0] =	vst.idx.add.f32.msk $0xffff, v30;
	v6 =	vmov v39  }
0xde: {  	v22 =	vadd.s32 $0x7530, v23;
	v17 =	vmul.f32 v17, v1;
	[tilespmem:v5+s15+$0x0] =	vst.idx.add.f32.msk $0xffff, v20;
	v5 =	vmov v40  }
0xdf: {  	[tilespmem:v28+s15+$0x0] =	vst.idx.add.f32.msk $0xffff, v18  }
0xe0: {  	v16 =	vmul.f32 v16, v4;
	[tilespmem:v29+s15+$0x0] =	vst.idx.add.f32.msk $0xffff, v17  }
.Ltmp2:
0xe1: {  	v18 =	vmul.f32 v21, v3;
	v17 =	vld.idx.msk [tilespmem:v31+s3+$0x0], $0xffff;
	(pc) =	sbr.rel @p0 .LBB2_7-.Ltmp2, $4  }
0xe2: {  	[tilespmem:v19+s15+$0x0] =	vst.idx.add.f32.msk $0xffff, v16  }
0xe3: {  	v16 =	vld.idx.msk [tilespmem:v22+s3+$0x0], $0xffff  }
0xe4: {  	[tilespmem:v33+s15+$0x0] =	vst.idx.add.f32.msk $0xffff, v18  }
0xe5: {  	s23 =	sadd.s32 $0x40, s23;
	v18 =	vld.idx.msk [tilespmem:v32+s3+$0x0], $0xffff  }
0xe6: {  	_ =	sdelay $0x3  }
0xe7: {  	v15 =	vld.idx.msk [tilespmem:v15+s3+$0x0], $0xffff  }
0xe8: {  	v17 =	vmul.f32 v17, v2;
	_ =	sdelay $0x1  }
0xe9: {  	[tilespmem:v12+s15+$0x0] =	vst.idx.add.f32.msk $0xffff, v17;
	v18 =	vmul.f32 v18, v1  }
0xea: {  	v11 =	vld.idx.msk [tilespmem:v11+s3+$0x0], $0xffff  }
0xeb: {  	v63 =	vmul.f32 v15, v3;
	[tilespmem:v14+s15+$0x0] =	vst.idx.add.f32.msk $0xffff, v18  }
0xec: {  	v13 =	vld.idx.msk [tilespmem:v13+s3+$0x0], $0xffff  }
0xed: {  	v10 =	vadd.s32 $0x7530, v10;
	[tilespmem:v8+s15+$0x0] =	vst.idx.add.f32.msk $0xffff, v63  }
0xee: {  	v8 =	vld.idx.msk [tilespmem:v9+s3+$0x0], $0xffff  }
0xef: {  	s20 =	sadd.s32 $0x1, s20  }
0xf0: {  	p0 =	sne.s32 s20, $0x14;
	v4 =	vmul.f32 v16, v4  }
.Ltmp3:
0xf1: {  	v2 =	vmul.f32 v11, v2;
	(pc) =	sbr.rel @p0 .LBB2_4-.Ltmp3, $4  }
0xf2: {  	[tilespmem:v10+s15+$0x0] =	vst.idx.add.f32.msk $0xffff, v4;
	v1 =	vmul.f32 v13, v1  }
0xf3: {  	[tilespmem:v7+s15+$0x0] =	vst.idx.add.f32.msk $0xffff, v2;
	v3 =	vmul.f32 v8, v3  }
0xf4: {  	[tilespmem:v6+s15+$0x0] =	vst.idx.add.f32.msk $0xffff, v1  }
0xf5: {  	[tilespmem:v5+s15+$0x0] =	vst.idx.add.f32.msk $0xffff, v3  }
0xf6: {  	s19 =	sadd.s32 $0x1, s19  }
0xf7: {  	p0 =	sne.s32 s19, s7  }
.Ltmp4:
0xf8: {  	_ = 	snop;
	(pc) =	sbr.rel @p0 .LBB2_1-.Ltmp4, $4  }
0xf9: {  	[hbm4b:s6+s3] =	stream.linear.scatter [tilespmem:s15], [sflag:$0x6], $0x9C40, $0x38;
	[tilespmem:$0x1B700] =	vst v63  }
0xfa: {  	_ =	swait.ge [sflag:s18], $0x9C40  }
0xfb: {  	[sflag:s18] =	ssyncset.done $0x0  }
0xfc: {  	[sflag:s18] =	ssyncadd.s32 $0xFFFF63C0  }
0xfd: {  	_ =	sfence.sel $0x180000  }
0xfe: {  	[bflag:$0x0] =	sbarrier.arrive $0xFFFF  }
0xff: {  	p0 =	sne.s32 s1, $0x0;
	_ =	strace $0x9000004A  }
0x100: {  	s0 =	sadd.s32 @!p0 $0x100000, s0;
	[bflag:$0x2] =	sbarrier.arrive $0xFFFF  }
0x101: {  	[sflag:s0] =	ssyncadd.tile.s32 @!p0 $0x1;
	_ =	shalt  }
.Lfunc_end2:
_tile_overlayer_lowered:
.L_overlay_start_2:
0x102: {  	(tag) =	ssettag $0x2  }
0x103: {  	s0 =	rddreg [dreg:$0x0];
	s2 =	stileid.u32  }
0x104: {  	s1 =	rddreg [dreg:$0x1];
	p0 =	sne.s32 s2, $0x0  }
0x105: {  	s3 =	rddreg [dreg:$0x2];
	[bflag:$0x3] =	sbarrier.arrive $0xFFFF;
	s2 =	simm.s32 @!p0 $0x1C06  }
0x106: {  	[timem:s3], [sflag:s2] =	dma.local @!p0 [hbm:s0], s1  }
0x107: {  	s0 =	simm.s32 @!p0 $0x6  }
0x108: {  	_ =	swait.ge @!p0 [sflag:s0], s1  }
0x109: {  	s1 =	ssub.s32 @!p0 $0x0, s1;
	[sflag:s0] =	ssyncset.done @!p0 $0x0  }
0x10a: {  	[sflag:s0] =	ssyncadd.s32 @!p0 s1  }
0x10b: {  	[bflag:$0x3] =	sbarrier.arrive $0xFFFF  }
0x10c: {  	_ =	shalt  }

</sc_bundles>
